<compile_context>
chip_gen: v7x
topology: tpu7x:2x2x1
jax: 0.10.2.dev20260603
libtpu: 0.0.44.dev20260713+nightly
codegen_flags: <defaults>
</compile_context>

<pallas_src>
import functools

import jax
import jax.numpy as jnp
from jax import lax
from jax.experimental import pallas as pl
from jax.experimental.pallas import tpu as pltpu
from jax.experimental.pallas import tpu_sc as plsc

N_NODES = 10000
N_EDGES = 320000
DIM = 128

PAD_NODES = 10240
NC, NS = 2, 16
PAD_EDGES = 327680
ECHUNK = 2048
N_ECHUNKS = PAD_EDGES // ECHUNK
UNROLL = 4
N_SG = ECHUNK // (16 * UNROLL)
FIRE = 128
BACKLOG = FIRE + 16 * UNROLL
NB = 4
OWN_ROWS = PAD_NODES // (NC * NS)
CORE_ROWS = PAD_NODES // NC


def _mm_body(h_ref, w_ref, n_ref, o_ref):
    o_ref[...] = (
        jnp.dot(h_ref[...], w_ref[...], preferred_element_type=jnp.float32)
        * n_ref[...]
    )


def _matmul_norm(h_pad, weight, norm_pad):
    return pl.pallas_call(
        _mm_body,
        grid=(8,),
        in_specs=[
            pl.BlockSpec((PAD_NODES // 8, DIM), lambda i: (i, 0)),
            pl.BlockSpec((DIM, DIM), lambda i: (0, 0)),
            pl.BlockSpec((PAD_NODES // 8, 1), lambda i: (i, 0)),
        ],
        out_specs=pl.BlockSpec((PAD_NODES // 8, DIM), lambda i: (i, 0)),
        out_shape=jax.ShapeDtypeStruct((PAD_NODES, DIM), jnp.float32),
    )(h_pad, weight, norm_pad)


def _sc_scatter(hw_pad, src, dst):
    mesh = plsc.VectorSubcoreMesh(core_axis_name="c", subcore_axis_name="s")

    @functools.partial(
        pl.kernel,
        mesh=mesh,
        out_type=jax.ShapeDtypeStruct((PAD_NODES, DIM), jnp.float32),
        scratch_types=[
            pltpu.VMEM((2, ECHUNK), jnp.int32),
            pltpu.VMEM((2, ECHUNK), jnp.int32),
            pltpu.VMEM((BACKLOG,), jnp.int32),
            pltpu.VMEM((BACKLOG,), jnp.int32),
            pltpu.VMEM((NB, FIRE), jnp.int32),
            pltpu.VMEM((NB, FIRE), jnp.int32),
            pltpu.VMEM((NB, FIRE, DIM), jnp.float32),
            pltpu.VMEM((16, DIM), jnp.float32),
            pltpu.VMEM_SHARED((CORE_ROWS, DIM), jnp.float32),
            pltpu.SemaphoreType.DMA,
            pltpu.SemaphoreType.DMA,
        ],
        compiler_params=pltpu.CompilerParams(needs_layout_passes=False),
    )
    def k(hw_hbm, src_hbm, dst_hbm, out_hbm,
          srcchunk_v, dstchunk_v, fsrc_buf, fdst_buf, fsrc_fire, fdst_fire,
          rows_v, z_v, acc_sh, sem_g, sem_c):
        cid = lax.axis_index("c")
        sid = lax.axis_index("s")
        core_base = cid * CORE_ROWS
        llo = sid * OWN_ROWS
        lo = core_base + llo
        hi = lo + OWN_ROWS

        def issue_chunk(ec, pb):
            off = ec * ECHUNK
            pltpu.async_copy(
                src_hbm.at[pl.ds(off, ECHUNK)], srcchunk_v.at[pb], sem_c)
            pltpu.async_copy(
                dst_hbm.at[pl.ds(off, ECHUNK)], dstchunk_v.at[pb], sem_c)

        def wait_chunk(pb):
            pltpu.make_async_copy(
                src_hbm.at[pl.ds(0, ECHUNK)], srcchunk_v.at[pb], sem_c).wait()
            pltpu.make_async_copy(
                dst_hbm.at[pl.ds(0, ECHUNK)], dstchunk_v.at[pb], sem_c).wait()

        issue_chunk(0, 0)

        zeros16 = jnp.zeros((16,), jnp.float32)

        def zero_body(i, _):
            z_v[i // 8, pl.ds((i % 8) * 16, 16)] = zeros16
            return 0

        lax.fori_loop(0, 16 * (DIM // 16), zero_body, 0)

        def zslab_body(i, _):
            pltpu.sync_copy(z_v, acc_sh.at[pl.ds(llo + i * 16, 16)])
            return 0

        lax.fori_loop(0, OWN_ROWS // 16, zslab_body, 0)

        def drain_and_scatter(q):
            pltpu.make_async_copy(
                hw_hbm.at[pl.ds(0, FIRE)], rows_v.at[q], sem_g).wait()
            pltpu.sync_copy(
                rows_v.at[q], acc_sh.at[fdst_fire.at[q]], add=True)

        def issue_gather(q):
            pltpu.async_copy(hw_hbm.at[fsrc_fire.at[q]], rows_v.at[q], sem_g)

        def sg_body(t, carry):
            cnt, nf, pb = carry
            base = t * (16 * UNROLL)
            offs = cnt
            for u in range(UNROLL):
                s16 = srcchunk_v[pb, pl.ds(base + u * 16, 16)]
                d16 = dstchunk_v[pb, pl.ds(base + u * 16, 16)]
                m = (d16 >= lo) & (d16 < hi)
                pc = plsc.all_reduce_population_count(m)
                plsc.store_compressed(fsrc_buf.at[pl.ds(offs, 16)], s16,
                                      mask=m)
                plsc.store_compressed(fdst_buf.at[pl.ds(offs, 16)],
                                      d16 - core_base, mask=m)
                offs = offs + pc[0]
            cnt = offs
            fired = cnt >= FIRE

            @pl.when(fired)
            def _():
                q = nf % NB

                @pl.when(nf >= NB - 1)
                def _():
                    drain_and_scatter((nf - (NB - 1)) % NB)

                for j in range(FIRE // 16):
                    fsrc_fire[q, pl.ds(j * 16, 16)] = (
                        fsrc_buf[pl.ds(j * 16, 16)])
                    fdst_fire[q, pl.ds(j * 16, 16)] = (
                        fdst_buf[pl.ds(j * 16, 16)])
                issue_gather(q)
                for j in range(UNROLL):
                    fsrc_buf[pl.ds(j * 16, 16)] = (
                        fsrc_buf[pl.ds(FIRE + j * 16, 16)])
                    fdst_buf[pl.ds(j * 16, 16)] = (
                        fdst_buf[pl.ds(FIRE + j * 16, 16)])

            cnt = jnp.where(fired, cnt - FIRE, cnt)
            nf = jnp.where(fired, nf + 1, nf)
            return (cnt, nf, pb)

        def chunk_body(ec, carry):
            cnt, nf, pb = carry
            wait_chunk(pb)

            @pl.when(ec + 1 < N_ECHUNKS)
            def _():
                issue_chunk(ec + 1, 1 - pb)

            cnt, nf, _ = lax.fori_loop(0, N_SG, sg_body, (cnt, nf, pb))
            return (cnt, nf, 1 - pb)

        cnt, nf, _ = lax.fori_loop(0, N_ECHUNKS, chunk_body, (0, 0, 0))

        for i in range(NB - 1):
            b = nf - (NB - 1) + i

            @pl.when((b >= 0) & (b < nf))
            def _():
                drain_and_scatter(b % NB)

        q = nf % NB
        for j in range(FIRE // 16):
            pos = lax.iota(jnp.int32, 16) + j * 16
            m = pos < cnt
            fsrc_fire[q, pl.ds(j * 16, 16)] = jnp.where(
                m, fsrc_buf[pl.ds(j * 16, 16)], N_NODES)
            fdst_fire[q, pl.ds(j * 16, 16)] = jnp.where(
                m, fdst_buf[pl.ds(j * 16, 16)], llo)
        issue_gather(q)
        drain_and_scatter(q)

        pltpu.sync_copy(
            acc_sh.at[pl.ds(llo, OWN_ROWS)],
            out_hbm.at[pl.ds(lo, OWN_ROWS)],
        )

    return k(hw_pad, src, dst)


def _comb_body(p_ref, n_ref, b_ref, o_ref):
    o_ref[...] = p_ref[...] * n_ref[...] + b_ref[...]


def _combine(agg, norm, bias2d):
    return pl.pallas_call(
        _comb_body,
        grid=(10,),
        in_specs=[
            pl.BlockSpec((1000, DIM), lambda i: (i, 0)),
            pl.BlockSpec((1000, 1), lambda i: (i, 0)),
            pl.BlockSpec((1, DIM), lambda i: (0, 0)),
        ],
        out_specs=pl.BlockSpec((1000, DIM), lambda i: (i, 0)),
        out_shape=jax.ShapeDtypeStruct((N_NODES, DIM), jnp.float32),
    )(agg, norm, bias2d)


def kernel(h, norm, edge_index, weight, bias):
    h_pad = jnp.pad(h, ((0, PAD_NODES - N_NODES), (0, 0)))
    norm_pad = jnp.pad(norm, ((0, PAD_NODES - N_NODES), (0, 0)))
    npad = PAD_EDGES - N_EDGES
    src = jnp.concatenate(
        [edge_index[0].astype(jnp.int32), jnp.full((npad,), N_NODES, jnp.int32)]
    )
    dst = jnp.concatenate(
        [edge_index[1].astype(jnp.int32), jnp.full((npad,), N_NODES, jnp.int32)]
    )
    hw_pad = _matmul_norm(h_pad, weight, norm_pad)
    agg = _sc_scatter(hw_pad, src, dst)
    return _combine(agg, norm, jnp.reshape(bias, (1, DIM)))

# --- scband reference (transcript-rebuilt; emitter-appended) ---
"""Pipeline reference for scband-gcnlayer-19911468384503 (READ-ONLY COPY).

The authoritative reference and input builder live on the scoring server;
editing this copy changes nothing except your own understanding.
"""

import jax, jax.numpy as jnp
import numpy as np

N_NODES = 10000
N_EDGES = 320000
IN_DIM = 128
OUT_DIM = 128


def setup_inputs(seed: int = 0) -> dict:
    key = jax.random.key(seed)
    k_h, k_norm, k_ei, k_w = jax.random.split(key, 4)
    h = jax.random.normal(k_h, (N_NODES, IN_DIM), dtype=jnp.float32)
    norm = jax.random.uniform(k_norm, (N_NODES, 1), dtype=jnp.float32)
    edge_index = jax.random.randint(k_ei, (2, N_EDGES), 0, N_NODES, dtype=jnp.int64)
    # xavier-uniform-style weight init
    limit = float(np.sqrt(6.0 / (IN_DIM + OUT_DIM)))
    weight = jax.random.uniform(k_w, (IN_DIM, OUT_DIM), dtype=jnp.float32, minval=-limit, maxval=limit)
    bias = jnp.full((OUT_DIM,), 0.001, dtype=jnp.float32)
    return {"h": h, "norm": norm, "edge_index": edge_index, "weight": weight, "bias": bias}


def reference(h, norm, edge_index, weight, bias):
    # h = h @ W
    hW = jnp.matmul(h, weight)
    # pre-normalize by node norm (symmetric GCN normalization, left half)
    hW = hW * norm
    # message passing: copy_src -> sum at dst (DGL update_all with copy_src + fn.sum)
    src = edge_index[0]
    dst = edge_index[1]
    msgs = jnp.take(hW, src, axis=0)
    agg = jax.ops.segment_sum(msgs, dst, num_segments=N_NODES)
    # post-normalize (right half)
    out = agg * norm
    # bias
    out = out + bias
    # note: activation is stored in __init__ but never applied in the original forward
    return out

if __name__ == "__main__":
    import jax
    _d = setup_inputs()
    print(jax.jit(kernel)(*tuple(_d.values())))

</pallas_src>

<mosaic_0001>
#map = affine_map<(d0, d1) -> (0, 0)>
#map1 = affine_map<(d0, d1) -> (0)>
module attributes {stable_mosaic.version = 14 : i64} {
  func.func @k(%arg0: i32, %arg1: i32, %arg2: memref<10240x128xf32, #tpu.memory_space<hbm>>, %arg3: memref<327680xi32, #tpu.memory_space<hbm>>, %arg4: memref<327680xi32, #tpu.memory_space<hbm>>, %arg5: memref<10240x128xf32, #tpu.memory_space<hbm>>, %arg6: memref<2x2048xi32, #tpu.memory_space<vmem>>, %arg7: memref<2x2048xi32, #tpu.memory_space<vmem>>, %arg8: memref<192xi32, #tpu.memory_space<vmem>>, %arg9: memref<192xi32, #tpu.memory_space<vmem>>, %arg10: memref<4x128xi32, #tpu.memory_space<vmem>>, %arg11: memref<4x128xi32, #tpu.memory_space<vmem>>, %arg12: memref<4x128x128xf32, #tpu.memory_space<vmem>>, %arg13: memref<16x128xf32, #tpu.memory_space<vmem>>, %arg14: memref<5120x128xf32, #tpu.memory_space<vmem_shared>>, %arg15: memref<!tpu.dma_semaphore, #tpu.memory_space<semaphore_mem>>, %arg16: memref<!tpu.dma_semaphore, #tpu.memory_space<semaphore_mem>>) attributes {dimension_semantics = [#tpu.dimension_semantics<core_parallel>, #tpu.dimension_semantics<subcore_parallel>], iteration_bounds = array<i64: 2, 16>, scalar_prefetch = 0 : i64, scratch_operands = 11 : i64, tpu.core_type = #tpu.core_type<sc_vector_subcore>, window_params = [{transform_indices = #map}, {transform_indices = #map1}, {transform_indices = #map1}, {transform_indices = #map}]} {
    %mul3A = arith.constant 5120 : i32
    %mul3A_0 = arith.muli %arg0, %mul3A : i32
    %mul3A_1 = arith.constant 320 : i32
    %mul3A_2 = arith.muli %arg1, %mul3A_1 : i32
    %add3A = arith.addi %mul3A_0, %mul3A_2 : i32
    %add3A_3 = arith.constant 320 : i32
    %add3A_4 = arith.addi %add3A, %add3A_3 : i32
    %dma_start3A = arith.constant 0 : i32
    %dma_start3A_5 = arith.constant 0 : i32
    %dma_start3A_6 = tpu.memref_slice %arg6[%dma_start3A, %dma_start3A_5] : memref<2x2048xi32, #tpu.memory_space<vmem>> -> memref<1x2048xi32, #tpu.memory_space<vmem>>
    %dma_start3A_7 = tpu.memref_squeeze %dma_start3A_6 : memref<1x2048xi32, #tpu.memory_space<vmem>> -> memref<2048xi32, #tpu.memory_space<vmem>>
    %dma_start3A_8 = arith.constant 0 : i32
    %dma_start3A_9 = tpu.memref_slice %arg3[%dma_start3A_8] : memref<327680xi32, #tpu.memory_space<hbm>> -> memref<2048xi32, #tpu.memory_space<hbm>>
    %dma_start3A_10 = arith.constant 0 : i32
    %dma_start3A_11 = tpu.memref_slice %arg6[%dma_start3A, %dma_start3A_10] : memref<2x2048xi32, #tpu.memory_space<vmem>> -> memref<1x2048xi32, #tpu.memory_space<vmem>>
    %dma_start3A_12 = tpu.memref_squeeze %dma_start3A_11 : memref<1x2048xi32, #tpu.memory_space<vmem>> -> memref<2048xi32, #tpu.memory_space<vmem>>
    %dma_start3A_13 = arith.constant 0 : i32
    %dma_start3A_14 = tpu.memref_slice %arg3[%dma_start3A_13] : memref<327680xi32, #tpu.memory_space<hbm>> -> memref<2048xi32, #tpu.memory_space<hbm>>
    tpu.enqueue_dma source(%dma_start3A_14 : memref<2048xi32, #tpu.memory_space<hbm>>) target(%dma_start3A_12 : memref<2048xi32, #tpu.memory_space<vmem>>) target_semaphore(%arg16 : memref<!tpu.dma_semaphore, #tpu.memory_space<semaphore_mem>>)
    %dma_start3A_15 = arith.constant 0 : i32
    %dma_start3A_16 = arith.constant 0 : i32
    %dma_start3A_17 = tpu.memref_slice %arg7[%dma_start3A_15, %dma_start3A_16] : memref<2x2048xi32, #tpu.memory_space<vmem>> -> memref<1x2048xi32, #tpu.memory_space<vmem>>
    %dma_start3A_18 = tpu.memref_squeeze %dma_start3A_17 : memref<1x2048xi32, #tpu.memory_space<vmem>> -> memref<2048xi32, #tpu.memory_space<vmem>>
    %dma_start3A_19 = arith.constant 0 : i32
    %dma_start3A_20 = tpu.memref_slice %arg4[%dma_start3A_19] : memref<327680xi32, #tpu.memory_space<hbm>> -> memref<2048xi32, #tpu.memory_space<hbm>>
    %dma_start3A_21 = arith.constant 0 : i32
    %dma_start3A_22 = tpu.memref_slice %arg7[%dma_start3A_15, %dma_start3A_21] : memref<2x2048xi32, #tpu.memory_space<vmem>> -> memref<1x2048xi32, #tpu.memory_space<vmem>>
    %dma_start3A_23 = tpu.memref_squeeze %dma_start3A_22 : memref<1x2048xi32, #tpu.memory_space<vmem>> -> memref<2048xi32, #tpu.memory_space<vmem>>
    %dma_start3A_24 = arith.constant 0 : i32
    %dma_start3A_25 = tpu.memref_slice %arg4[%dma_start3A_24] : memref<327680xi32, #tpu.memory_space<hbm>> -> memref<2048xi32, #tpu.memory_space<hbm>>
    tpu.enqueue_dma source(%dma_start3A_25 : memref<2048xi32, #tpu.memory_space<hbm>>) target(%dma_start3A_23 : memref<2048xi32, #tpu.memory_space<vmem>>) target_semaphore(%arg16 : memref<!tpu.dma_semaphore, #tpu.memory_space<semaphore_mem>>)
    %broadcast_in_dim3A = arith.constant 0.000000e+00 : f32
    %broadcast_in_dim3A_26 = vector.broadcast %broadcast_in_dim3A : f32 to vector<16xf32>
    %scan3A = arith.constant 0 : i32
    %scan3A_27 = arith.constant 0 : i32
    %scan3A_28 = arith.constant 128 : i32
    %scan3A_29 = arith.addi %scan3A_27, %scan3A_28 : i32
    %scan3A_30 = arith.constant 1 : i32
    %scan3A_31 = scf.for %scan3A_275 = %scan3A_27 to %scan3A_29 step %scan3A_30 iter_args(%scan3A_276 = %scan3A) -> (i32)  : i32 {
      %jit3A_277 = arith.constant 8 : i32
      %div3A = arith.divsi %scan3A_275, %jit3A_277 : i32
      %sign3A = arith.constant 0 : i32
      %sign3A_278 = arith.cmpi sgt, %scan3A_275, %sign3A : i32
      %sign3A_279 = arith.extui %sign3A_278 : i1 to i32
      %sign3A_280 = arith.constant 0 : i32
      %sign3A_281 = arith.cmpi slt, %scan3A_275, %sign3A_280 : i32
      %sign3A_282 = arith.extui %sign3A_281 : i1 to i32
      %sign3A_283 = arith.subi %sign3A_279, %sign3A_282 : i32
      %sign3A_284 = arith.constant 0 : i32
      %sign3A_285 = arith.cmpi sgt, %jit3A_277, %sign3A_284 : i32
      %sign3A_286 = arith.extui %sign3A_285 : i1 to i32
      %sign3A_287 = arith.constant 0 : i32
      %sign3A_288 = arith.cmpi slt, %jit3A_277, %sign3A_287 : i32
      %sign3A_289 = arith.extui %sign3A_288 : i1 to i32
      %sign3A_290 = arith.subi %sign3A_286, %sign3A_289 : i32
      %ne3A_291 = arith.cmpi ne, %sign3A_283, %sign3A_290 : i32
      %rem3A_292 = arith.remsi %scan3A_275, %jit3A_277 : i32
      %ne3A_293 = arith.constant 0 : i32
      %ne3A_294 = arith.cmpi ne, %rem3A_292, %ne3A_293 : i32
      %and3A_295 = arith.andi %ne3A_291, %ne3A_294 : i1
      %sub3A_296 = arith.constant 1 : i32
      %sub3A_297 = arith.subi %div3A, %sub3A_296 : i32
      %select_n3A_298 = arith.select %and3A_295, %sub3A_297, %div3A : i32
      %jit3A_299 = arith.constant 8 : i32
      %eq3A_300 = arith.constant 0 : i32
      %eq3A_301 = arith.cmpi eq, %jit3A_299, %eq3A_300 : i32
      %jit3A_302 = arith.constant 1 : i32
      %select_n3A_303 = arith.select %eq3A_301, %jit3A_302, %jit3A_299 : i32
      %rem3A_304 = arith.remsi %scan3A_275, %select_n3A_303 : i32
      %ne3A_305 = arith.constant 0 : i32
      %ne3A_306 = arith.cmpi ne, %rem3A_304, %ne3A_305 : i32
      %lt3A_307 = arith.constant 0 : i32
      %lt3A_308 = arith.cmpi slt, %rem3A_304, %lt3A_307 : i32
      %lt3A_309 = arith.constant 0 : i32
      %lt3A_310 = arith.cmpi slt, %select_n3A_303, %lt3A_309 : i32
      %ne3A_311 = arith.xori %lt3A_308, %lt3A_310 : i1
      %and3A_312 = arith.andi %ne3A_311, %ne3A_306 : i1
      %add3A_313 = arith.addi %rem3A_304, %select_n3A_303 : i32
      %select_n3A_314 = arith.select %and3A_312, %add3A_313, %rem3A_304 : i32
      %mul3A_315 = arith.constant 16 : i32
      %mul3A_316 = arith.muli %select_n3A_314, %mul3A_315 : i32
      %swap3A_317 = arith.index_cast %select_n3A_298 : i32 to index
      %swap3A_318 = arith.index_cast %mul3A_316 : i32 to index
      %swap3A_319 = tpu.vector_load %arg13[%swap3A_317, %swap3A_318] {strides = array<i32>} : memref<16x128xf32, #tpu.memory_space<vmem>>, vector<16xf32>,
      tpu.vector_store %arg13[%swap3A_317, %swap3A_318], %broadcast_in_dim3A_26 {strides = array<i32>} : memref<16x128xf32, #tpu.memory_space<vmem>>, vector<16xf32>,
      %scan3A_320 = arith.constant 0 : i32
      scf.yield %scan3A_320 : i32
    }
    %scan3A_32 = arith.constant 128 : i32
    %scan3A_33 = arith.constant 0 : i32
    %scan3A_34 = arith.constant 0 : i32
    %scan3A_35 = arith.constant 20 : i32
    %scan3A_36 = arith.addi %scan3A_34, %scan3A_35 : i32
    %scan3A_37 = arith.constant 1 : i32
    %scan3A_38 = scf.for %scan3A_275 = %scan3A_34 to %scan3A_36 step %scan3A_37 iter_args(%scan3A_276 = %scan3A_33) -> (i32)  : i32 {
      %mul3A_277 = arith.constant 16 : i32
      %mul3A_278 = arith.muli %scan3A_275, %mul3A_277 : i32
      %add3A_279 = arith.addi %mul3A_2, %mul3A_278 : i32
      "tpu.region"() ({
        %run_scoped3A = tpu.sem_alloc : memref<!tpu.dma_semaphore, #tpu.memory_space<semaphore_mem>>
        %dma_start3A_281 = arith.constant 0 : i32
        %dma_start3A_282 = tpu.memref_slice %arg14[%add3A_279, %dma_start3A_281] : memref<5120x128xf32, #tpu.memory_space<vmem_shared>> -> memref<16x128xf32, #tpu.memory_space<vmem_shared>>
        %dma_start3A_283 = arith.constant 0 : i32
        %dma_start3A_284 = tpu.memref_slice %arg14[%add3A_279, %dma_start3A_283] : memref<5120x128xf32, #tpu.memory_space<vmem_shared>> -> memref<16x128xf32, #tpu.memory_space<vmem_shared>>
        tpu.enqueue_dma source(%arg13 : memref<16x128xf32, #tpu.memory_space<vmem>>) target(%dma_start3A_284 : memref<16x128xf32, #tpu.memory_space<vmem_shared>>) target_semaphore(%run_scoped3A : memref<!tpu.dma_semaphore, #tpu.memory_space<semaphore_mem>>)
        %dma_wait3A_285 = arith.constant 0 : i32
        %dma_wait3A_286 = tpu.memref_slice %arg14[%add3A_279, %dma_wait3A_285] : memref<5120x128xf32, #tpu.memory_space<vmem_shared>> -> memref<16x128xf32, #tpu.memory_space<vmem_shared>>
        %dma_wait3A_287 = arith.constant 0 : i32
        %dma_wait3A_288 = tpu.memref_slice %arg14[%add3A_279, %dma_wait3A_287] : memref<5120x128xf32, #tpu.memory_space<vmem_shared>> -> memref<16x128xf32, #tpu.memory_space<vmem_shared>>
        tpu.wait_dma2 semaphore(%run_scoped3A : memref<!tpu.dma_semaphore, #tpu.memory_space<semaphore_mem>>) src(%arg13 : memref<16x128xf32, #tpu.memory_space<vmem>>) dst(%dma_wait3A_288 : memref<16x128xf32, #tpu.memory_space<vmem_shared>>)
        tpu.yield
      }) : () -> ()
      %scan3A_280 = arith.constant 0 : i32
      scf.yield %scan3A_280 : i32
    }
    %scan3A_39 = arith.constant 20 : i32
    %scan3A_40 = arith.constant 0 : i32
    %scan3A_41 = arith.constant 0 : i32
    %scan3A_42 = arith.constant 0 : i32
    %scan3A_43 = arith.constant 0 : i32
    %scan3A_44 = arith.constant 160 : i32
    %scan3A_45 = arith.addi %scan3A_43, %scan3A_44 : i32
    %scan3A_46 = arith.constant 1 : i32
    %scan3A_47:3 = scf.for %scan3A_275 = %scan3A_43 to %scan3A_45 step %scan3A_46 iter_args(%scan3A_276 = %scan3A_40, %scan3A_277 = %scan3A_41, %scan3A_278 = %scan3A_42) -> (i32, i32, i32)  : i32 {
      %dma_wait3A_279 = arith.constant 0 : i32
      %dma_wait3A_280 = tpu.memref_slice %arg6[%scan3A_278, %dma_wait3A_279] : memref<2x2048xi32, #tpu.memory_space<vmem>> -> memref<1x2048xi32, #tpu.memory_space<vmem>>
      %dma_wait3A_281 = tpu.memref_squeeze %dma_wait3A_280 : memref<1x2048xi32, #tpu.memory_space<vmem>> -> memref<2048xi32, #tpu.memory_space<vmem>>
      %dma_wait3A_282 = arith.constant 0 : i32
      %dma_wait3A_283 = tpu.memref_slice %arg3[%dma_wait3A_282] : memref<327680xi32, #tpu.memory_space<hbm>> -> memref<2048xi32, #tpu.memory_space<hbm>>
      %dma_wait3A_284 = arith.constant 0 : i32
      %dma_wait3A_285 = tpu.memref_slice %arg6[%scan3A_278, %dma_wait3A_284] : memref<2x2048xi32, #tpu.memory_space<vmem>> -> memref<1x2048xi32, #tpu.memory_space<vmem>>
      %dma_wait3A_286 = tpu.memref_squeeze %dma_wait3A_285 : memref<1x2048xi32, #tpu.memory_space<vmem>> -> memref<2048xi32, #tpu.memory_space<vmem>>
      %dma_wait3A_287 = arith.constant 0 : i32
      %dma_wait3A_288 = tpu.memref_slice %arg3[%dma_wait3A_287] : memref<327680xi32, #tpu.memory_space<hbm>> -> memref<2048xi32, #tpu.memory_space<hbm>>
      tpu.wait_dma2 semaphore(%arg16 : memref<!tpu.dma_semaphore, #tpu.memory_space<semaphore_mem>>) src(%dma_wait3A_288 : memref<2048xi32, #tpu.memory_space<hbm>>) dst(%dma_wait3A_286 : memref<2048xi32, #tpu.memory_space<vmem>>)
      %dma_wait3A_289 = arith.constant 0 : i32
      %dma_wait3A_290 = tpu.memref_slice %arg7[%scan3A_278, %dma_wait3A_289] : memref<2x2048xi32, #tpu.memory_space<vmem>> -> memref<1x2048xi32, #tpu.memory_space<vmem>>
      %dma_wait3A_291 = tpu.memref_squeeze %dma_wait3A_290 : memref<1x2048xi32, #tpu.memory_space<vmem>> -> memref<2048xi32, #tpu.memory_space<vmem>>
      %dma_wait3A_292 = arith.constant 0 : i32
      %dma_wait3A_293 = tpu.memref_slice %arg4[%dma_wait3A_292] : memref<327680xi32, #tpu.memory_space<hbm>> -> memref<2048xi32, #tpu.memory_space<hbm>>
      %dma_wait3A_294 = arith.constant 0 : i32
      %dma_wait3A_295 = tpu.memref_slice %arg7[%scan3A_278, %dma_wait3A_294] : memref<2x2048xi32, #tpu.memory_space<vmem>> -> memref<1x2048xi32, #tpu.memory_space<vmem>>
      %dma_wait3A_296 = tpu.memref_squeeze %dma_wait3A_295 : memref<1x2048xi32, #tpu.memory_space<vmem>> -> memref<2048xi32, #tpu.memory_space<vmem>>
      %dma_wait3A_297 = arith.constant 0 : i32
      %dma_wait3A_298 = tpu.memref_slice %arg4[%dma_wait3A_297] : memref<327680xi32, #tpu.memory_space<hbm>> -> memref<2048xi32, #tpu.memory_space<hbm>>
      tpu.wait_dma2 semaphore(%arg16 : memref<!tpu.dma_semaphore, #tpu.memory_space<semaphore_mem>>) src(%dma_wait3A_298 : memref<2048xi32, #tpu.memory_space<hbm>>) dst(%dma_wait3A_296 : memref<2048xi32, #tpu.memory_space<vmem>>)
      %add3A_299 = arith.constant 1 : i32
      %add3A_300 = arith.addi %scan3A_275, %add3A_299 : i32
      %lt3A_301 = arith.constant 160 : i32
      %lt3A_302 = arith.cmpi slt, %add3A_300, %lt3A_301 : i32
      %convert_element_type3A_303 = arith.extui %lt3A_302 : i1 to i32
      %cond3A_304 = arith.constant 0 : i32
      %cond3A_305 = arith.cmpi ne, %convert_element_type3A_303, %cond3A_304 : i32
      scf.if %cond3A_305 {
        %add3A_314 = arith.constant 1 : i32
        %add3A_315 = arith.addi %scan3A_275, %add3A_314 : i32
        %sub3A_316 = arith.constant 1 : i32
        %sub3A_317 = arith.subi %sub3A_316, %scan3A_278 : i32
        %mul3A_318 = arith.constant 2048 : i32
        %mul3A_319 = arith.muli %add3A_315, %mul3A_318 : i32
        %dma_start3A_320 = arith.constant 0 : i32
        %dma_start3A_321 = tpu.memref_slice %arg6[%sub3A_317, %dma_start3A_320] : memref<2x2048xi32, #tpu.memory_space<vmem>> -> memref<1x2048xi32, #tpu.memory_space<vmem>>
        %dma_start3A_322 = tpu.memref_squeeze %dma_start3A_321 : memref<1x2048xi32, #tpu.memory_space<vmem>> -> memref<2048xi32, #tpu.memory_space<vmem>>
        %dma_start3A_323 = tpu.memref_slice %arg3[%mul3A_319] : memref<327680xi32, #tpu.memory_space<hbm>> -> memref<2048xi32, #tpu.memory_space<hbm>>
        %dma_start3A_324 = arith.constant 0 : i32
        %dma_start3A_325 = tpu.memref_slice %arg6[%sub3A_317, %dma_start3A_324] : memref<2x2048xi32, #tpu.memory_space<vmem>> -> memref<1x2048xi32, #tpu.memory_space<vmem>>
        %dma_start3A_326 = tpu.memref_squeeze %dma_start3A_325 : memref<1x2048xi32, #tpu.memory_space<vmem>> -> memref<2048xi32, #tpu.memory_space<vmem>>
        %dma_start3A_327 = tpu.memref_slice %arg3[%mul3A_319] : memref<327680xi32, #tpu.memory_space<hbm>> -> memref<2048xi32, #tpu.memory_space<hbm>>
        tpu.enqueue_dma source(%dma_start3A_327 : memref<2048xi32, #tpu.memory_space<hbm>>) target(%dma_start3A_326 : memref<2048xi32, #tpu.memory_space<vmem>>) target_semaphore(%arg16 : memref<!tpu.dma_semaphore, #tpu.memory_space<semaphore_mem>>)
        %dma_start3A_328 = arith.constant 0 : i32
        %dma_start3A_329 = tpu.memref_slice %arg7[%sub3A_317, %dma_start3A_328] : memref<2x2048xi32, #tpu.memory_space<vmem>> -> memref<1x2048xi32, #tpu.memory_space<vmem>>
        %dma_start3A_330 = tpu.memref_squeeze %dma_start3A_329 : memref<1x2048xi32, #tpu.memory_space<vmem>> -> memref<2048xi32, #tpu.memory_space<vmem>>
        %dma_start3A_331 = tpu.memref_slice %arg4[%mul3A_319] : memref<327680xi32, #tpu.memory_space<hbm>> -> memref<2048xi32, #tpu.memory_space<hbm>>
        %dma_start3A_332 = arith.constant 0 : i32
        %dma_start3A_333 = tpu.memref_slice %arg7[%sub3A_317, %dma_start3A_332] : memref<2x2048xi32, #tpu.memory_space<vmem>> -> memref<1x2048xi32, #tpu.memory_space<vmem>>
        %dma_start3A_334 = tpu.memref_squeeze %dma_start3A_333 : memref<1x2048xi32, #tpu.memory_space<vmem>> -> memref<2048xi32, #tpu.memory_space<vmem>>
        %dma_start3A_335 = tpu.memref_slice %arg4[%mul3A_319] : memref<327680xi32, #tpu.memory_space<hbm>> -> memref<2048xi32, #tpu.memory_space<hbm>>
        tpu.enqueue_dma source(%dma_start3A_335 : memref<2048xi32, #tpu.memory_space<hbm>>) target(%dma_start3A_334 : memref<2048xi32, #tpu.memory_space<vmem>>) target_semaphore(%arg16 : memref<!tpu.dma_semaphore, #tpu.memory_space<semaphore_mem>>)
      } else {
      }
      %scan3A_306 = arith.constant 0 : i32
      %scan3A_307 = arith.constant 32 : i32
      %scan3A_308 = arith.addi %scan3A_306, %scan3A_307 : i32
      %scan3A_309 = arith.constant 1 : i32
      %scan3A_310:2 = scf.for %scan3A_314 = %scan3A_306 to %scan3A_308 step %scan3A_309 iter_args(%scan3A_315 = %scan3A_276, %scan3A_316 = %scan3A_277) -> (i32, i32)  : i32 {
        %mul3A_317 = arith.constant 64 : i32
        %mul3A_318 = arith.muli %scan3A_314, %mul3A_317 : i32
        %add3A_319 = arith.constant 0 : i32
        %add3A_320 = arith.addi %mul3A_318, %add3A_319 : i32
        %get3A_321 = arith.index_cast %scan3A_278 : i32 to index
        %get3A_322 = arith.index_cast %add3A_320 : i32 to index
        %get3A_323 = tpu.vector_load %arg6[%get3A_321, %get3A_322] {strides = array<i32>} : memref<2x2048xi32, #tpu.memory_space<vmem>>, vector<16xi32>,
        %add3A_324 = arith.constant 0 : i32
        %add3A_325 = arith.addi %mul3A_318, %add3A_324 : i32
        %get3A_326 = arith.index_cast %scan3A_278 : i32 to index
        %get3A_327 = arith.index_cast %add3A_325 : i32 to index
        %get3A_328 = tpu.vector_load %arg7[%get3A_326, %get3A_327] {strides = array<i32>} : memref<2x2048xi32, #tpu.memory_space<vmem>>, vector<16xi32>,
        %ge3A_329 = vector.broadcast %add3A : i32 to vector<16xi32>
        %ge3A_330 = arith.cmpi sge, %get3A_328, %ge3A_329 : vector<16xi32>
        %lt3A_331 = vector.broadcast %add3A_4 : i32 to vector<16xi32>
        %lt3A_332 = arith.cmpi slt, %get3A_328, %lt3A_331 : vector<16xi32>
        %and3A_333 = arith.andi %ge3A_330, %lt3A_332 : vector<16xi1>
        %all_reduce_population_count3A = tpu.all_reduce %and3A_333 {dim = 0 : i64, kind = #tpu.reduction_kind<sum>} : vector<16xi1> -> vector<16xi32>
        %swap3A_334 = arith.index_cast %scan3A_315 : i32 to index
        %swap3A_335 = tpu.vector_load %arg8[%swap3A_334] masked %and3A_333 {strides = array<i32>} : memref<192xi32, #tpu.memory_space<vmem>>, vector<16xi32>, vector<16xi1>
        tpu.vector_store %arg8[%swap3A_334], %get3A_323 masked %and3A_333 {strides = array<i32>} : memref<192xi32, #tpu.memory_space<vmem>>, vector<16xi32>, vector<16xi1>
        %sub3A_336 = vector.broadcast %mul3A_0 : i32 to vector<16xi32>
        %sub3A_337 = arith.subi %get3A_328, %sub3A_336 : vector<16xi32>
        %swap3A_338 = arith.index_cast %scan3A_315 : i32 to index
        %swap3A_339 = tpu.vector_load %arg9[%swap3A_338] masked %and3A_333 {strides = array<i32>} : memref<192xi32, #tpu.memory_space<vmem>>, vector<16xi32>, vector<16xi1>
        tpu.vector_store %arg9[%swap3A_338], %sub3A_337 masked %and3A_333 {strides = array<i32>} : memref<192xi32, #tpu.memory_space<vmem>>, vector<16xi32>, vector<16xi1>
        %slice3A = vector.extract_strided_slice %all_reduce_population_count3A {offsets = [0], sizes = [1], strides = [1]} : vector<16xi32> to vector<1xi32>
        %squeeze3A = vector.extract %slice3A[0] : i32 from vector<1xi32>
        %add3A_340 = arith.addi %scan3A_315, %squeeze3A : i32
        %add3A_341 = arith.constant 16 : i32
        %add3A_342 = arith.addi %mul3A_318, %add3A_341 : i32
        %get3A_343 = arith.index_cast %scan3A_278 : i32 to index
        %get3A_344 = arith.index_cast %add3A_342 : i32 to index
        %get3A_345 = tpu.vector_load %arg6[%get3A_343, %get3A_344] {strides = array<i32>} : memref<2x2048xi32, #tpu.memory_space<vmem>>, vector<16xi32>,
        %add3A_346 = arith.constant 16 : i32
        %add3A_347 = arith.addi %mul3A_318, %add3A_346 : i32
        %get3A_348 = arith.index_cast %scan3A_278 : i32 to index
        %get3A_349 = arith.index_cast %add3A_347 : i32 to index
        %get3A_350 = tpu.vector_load %arg7[%get3A_348, %get3A_349] {strides = array<i32>} : memref<2x2048xi32, #tpu.memory_space<vmem>>, vector<16xi32>,
        %ge3A_351 = vector.broadcast %add3A : i32 to vector<16xi32>
        %ge3A_352 = arith.cmpi sge, %get3A_350, %ge3A_351 : vector<16xi32>
        %lt3A_353 = vector.broadcast %add3A_4 : i32 to vector<16xi32>
        %lt3A_354 = arith.cmpi slt, %get3A_350, %lt3A_353 : vector<16xi32>
        %and3A_355 = arith.andi %ge3A_352, %lt3A_354 : vector<16xi1>
        %all_reduce_population_count3A_356 = tpu.all_reduce %and3A_355 {dim = 0 : i64, kind = #tpu.reduction_kind<sum>} : vector<16xi1> -> vector<16xi32>
        %swap3A_357 = arith.index_cast %add3A_340 : i32 to index
        %swap3A_358 = tpu.vector_load %arg8[%swap3A_357] masked %and3A_355 {strides = array<i32>} : memref<192xi32, #tpu.memory_space<vmem>>, vector<16xi32>, vector<16xi1>
        tpu.vector_store %arg8[%swap3A_357], %get3A_345 masked %and3A_355 {strides = array<i32>} : memref<192xi32, #tpu.memory_space<vmem>>, vector<16xi32>, vector<16xi1>
        %sub3A_359 = vector.broadcast %mul3A_0 : i32 to vector<16xi32>
        %sub3A_360 = arith.subi %get3A_350, %sub3A_359 : vector<16xi32>
        %swap3A_361 = arith.index_cast %add3A_340 : i32 to index
        %swap3A_362 = tpu.vector_load %arg9[%swap3A_361] masked %and3A_355 {strides = array<i32>} : memref<192xi32, #tpu.memory_space<vmem>>, vector<16xi32>, vector<16xi1>
        tpu.vector_store %arg9[%swap3A_361], %sub3A_360 masked %and3A_355 {strides = array<i32>} : memref<192xi32, #tpu.memory_space<vmem>>, vector<16xi32>, vector<16xi1>
        %slice3A_363 = vector.extract_strided_slice %all_reduce_population_count3A_356 {offsets = [0], sizes = [1], strides = [1]} : vector<16xi32> to vector<1xi32>
        %squeeze3A_364 = vector.extract %slice3A_363[0] : i32 from vector<1xi32>
        %add3A_365 = arith.addi %add3A_340, %squeeze3A_364 : i32
        %add3A_366 = arith.constant 32 : i32
        %add3A_367 = arith.addi %mul3A_318, %add3A_366 : i32
        %get3A_368 = arith.index_cast %scan3A_278 : i32 to index
        %get3A_369 = arith.index_cast %add3A_367 : i32 to index
        %get3A_370 = tpu.vector_load %arg6[%get3A_368, %get3A_369] {strides = array<i32>} : memref<2x2048xi32, #tpu.memory_space<vmem>>, vector<16xi32>,
        %add3A_371 = arith.constant 32 : i32
        %add3A_372 = arith.addi %mul3A_318, %add3A_371 : i32
        %get3A_373 = arith.index_cast %scan3A_278 : i32 to index
        %get3A_374 = arith.index_cast %add3A_372 : i32 to index
        %get3A_375 = tpu.vector_load %arg7[%get3A_373, %get3A_374] {strides = array<i32>} : memref<2x2048xi32, #tpu.memory_space<vmem>>, vector<16xi32>,
        %ge3A_376 = vector.broadcast %add3A : i32 to vector<16xi32>
        %ge3A_377 = arith.cmpi sge, %get3A_375, %ge3A_376 : vector<16xi32>
        %lt3A_378 = vector.broadcast %add3A_4 : i32 to vector<16xi32>
        %lt3A_379 = arith.cmpi slt, %get3A_375, %lt3A_378 : vector<16xi32>
        %and3A_380 = arith.andi %ge3A_377, %lt3A_379 : vector<16xi1>
        %all_reduce_population_count3A_381 = tpu.all_reduce %and3A_380 {dim = 0 : i64, kind = #tpu.reduction_kind<sum>} : vector<16xi1> -> vector<16xi32>
        %swap3A_382 = arith.index_cast %add3A_365 : i32 to index
        %swap3A_383 = tpu.vector_load %arg8[%swap3A_382] masked %and3A_380 {strides = array<i32>} : memref<192xi32, #tpu.memory_space<vmem>>, vector<16xi32>, vector<16xi1>
        tpu.vector_store %arg8[%swap3A_382], %get3A_370 masked %and3A_380 {strides = array<i32>} : memref<192xi32, #tpu.memory_space<vmem>>, vector<16xi32>, vector<16xi1>
        %sub3A_384 = vector.broadcast %mul3A_0 : i32 to vector<16xi32>
        %sub3A_385 = arith.subi %get3A_375, %sub3A_384 : vector<16xi32>
        %swap3A_386 = arith.index_cast %add3A_365 : i32 to index
        %swap3A_387 = tpu.vector_load %arg9[%swap3A_386] masked %and3A_380 {strides = array<i32>} : memref<192xi32, #tpu.memory_space<vmem>>, vector<16xi32>, vector<16xi1>
        tpu.vector_store %arg9[%swap3A_386], %sub3A_385 masked %and3A_380 {strides = array<i32>} : memref<192xi32, #tpu.memory_space<vmem>>, vector<16xi32>, vector<16xi1>
        %slice3A_388 = vector.extract_strided_slice %all_reduce_population_count3A_381 {offsets = [0], sizes = [1], strides = [1]} : vector<16xi32> to vector<1xi32>
        %squeeze3A_389 = vector.extract %slice3A_388[0] : i32 from vector<1xi32>
        %add3A_390 = arith.addi %add3A_365, %squeeze3A_389 : i32
        %add3A_391 = arith.constant 48 : i32
        %add3A_392 = arith.addi %mul3A_318, %add3A_391 : i32
        %get3A_393 = arith.index_cast %scan3A_278 : i32 to index
        %get3A_394 = arith.index_cast %add3A_392 : i32 to index
        %get3A_395 = tpu.vector_load %arg6[%get3A_393, %get3A_394] {strides = array<i32>} : memref<2x2048xi32, #tpu.memory_space<vmem>>, vector<16xi32>,
        %add3A_396 = arith.constant 48 : i32
        %add3A_397 = arith.addi %mul3A_318, %add3A_396 : i32
        %get3A_398 = arith.index_cast %scan3A_278 : i32 to index
        %get3A_399 = arith.index_cast %add3A_397 : i32 to index
        %get3A_400 = tpu.vector_load %arg7[%get3A_398, %get3A_399] {strides = array<i32>} : memref<2x2048xi32, #tpu.memory_space<vmem>>, vector<16xi32>,
        %ge3A_401 = vector.broadcast %add3A : i32 to vector<16xi32>
        %ge3A_402 = arith.cmpi sge, %get3A_400, %ge3A_401 : vector<16xi32>
        %lt3A_403 = vector.broadcast %add3A_4 : i32 to vector<16xi32>
        %lt3A_404 = arith.cmpi slt, %get3A_400, %lt3A_403 : vector<16xi32>
        %and3A_405 = arith.andi %ge3A_402, %lt3A_404 : vector<16xi1>
        %all_reduce_population_count3A_406 = tpu.all_reduce %and3A_405 {dim = 0 : i64, kind = #tpu.reduction_kind<sum>} : vector<16xi1> -> vector<16xi32>
        %swap3A_407 = arith.index_cast %add3A_390 : i32 to index
        %swap3A_408 = tpu.vector_load %arg8[%swap3A_407] masked %and3A_405 {strides = array<i32>} : memref<192xi32, #tpu.memory_space<vmem>>, vector<16xi32>, vector<16xi1>
        tpu.vector_store %arg8[%swap3A_407], %get3A_395 masked %and3A_405 {strides = array<i32>} : memref<192xi32, #tpu.memory_space<vmem>>, vector<16xi32>, vector<16xi1>
        %sub3A_409 = vector.broadcast %mul3A_0 : i32 to vector<16xi32>
        %sub3A_410 = arith.subi %get3A_400, %sub3A_409 : vector<16xi32>
        %swap3A_411 = arith.index_cast %add3A_390 : i32 to index
        %swap3A_412 = tpu.vector_load %arg9[%swap3A_411] masked %and3A_405 {strides = array<i32>} : memref<192xi32, #tpu.memory_space<vmem>>, vector<16xi32>, vector<16xi1>
        tpu.vector_store %arg9[%swap3A_411], %sub3A_410 masked %and3A_405 {strides = array<i32>} : memref<192xi32, #tpu.memory_space<vmem>>, vector<16xi32>, vector<16xi1>
        %slice3A_413 = vector.extract_strided_slice %all_reduce_population_count3A_406 {offsets = [0], sizes = [1], strides = [1]} : vector<16xi32> to vector<1xi32>
        %squeeze3A_414 = vector.extract %slice3A_413[0] : i32 from vector<1xi32>
        %add3A_415 = arith.addi %add3A_390, %squeeze3A_414 : i32
        %ge3A_416 = arith.constant 128 : i32
        %ge3A_417 = arith.cmpi sge, %add3A_415, %ge3A_416 : i32
        %convert_element_type3A_418 = arith.extui %ge3A_417 : i1 to i32
        %cond3A_419 = arith.constant 0 : i32
        %cond3A_420 = arith.cmpi ne, %convert_element_type3A_418, %cond3A_419 : i32
        scf.if %cond3A_420 {
          %jit3A_427 = arith.constant 4 : i32
          %eq3A_428 = arith.constant 0 : i32
          %eq3A_429 = arith.cmpi eq, %jit3A_427, %eq3A_428 : i32
          %jit3A_430 = arith.constant 1 : i32
          %select_n3A_431 = arith.select %eq3A_429, %jit3A_430, %jit3A_427 : i32
          %rem3A_432 = arith.remsi %scan3A_316, %select_n3A_431 : i32
          %ne3A_433 = arith.constant 0 : i32
          %ne3A_434 = arith.cmpi ne, %rem3A_432, %ne3A_433 : i32
          %lt3A_435 = arith.constant 0 : i32
          %lt3A_436 = arith.cmpi slt, %rem3A_432, %lt3A_435 : i32
          %lt3A_437 = arith.constant 0 : i32
          %lt3A_438 = arith.cmpi slt, %select_n3A_431, %lt3A_437 : i32
          %ne3A_439 = arith.xori %lt3A_436, %lt3A_438 : i1
          %and3A_440 = arith.andi %ne3A_439, %ne3A_434 : i1
          %add3A_441 = arith.addi %rem3A_432, %select_n3A_431 : i32
          %select_n3A_442 = arith.select %and3A_440, %add3A_441, %rem3A_432 : i32
          %ge3A_443 = arith.constant 3 : i32
          %ge3A_444 = arith.cmpi sge, %scan3A_316, %ge3A_443 : i32
          %convert_element_type3A_445 = arith.extui %ge3A_444 : i1 to i32
          %cond3A_446 = arith.constant 0 : i32
          %cond3A_447 = arith.cmpi ne, %convert_element_type3A_445, %cond3A_446 : i32
          scf.if %cond3A_447 {
            %sub3A_570 = arith.constant 3 : i32
            %sub3A_571 = arith.subi %scan3A_316, %sub3A_570 : i32
            %jit3A_572 = arith.constant 4 : i32
            %eq3A_573 = arith.constant 0 : i32
            %eq3A_574 = arith.cmpi eq, %jit3A_572, %eq3A_573 : i32
            %jit3A_575 = arith.constant 1 : i32
            %select_n3A_576 = arith.select %eq3A_574, %jit3A_575, %jit3A_572 : i32
            %rem3A_577 = arith.remsi %sub3A_571, %select_n3A_576 : i32
            %ne3A_578 = arith.constant 0 : i32
            %ne3A_579 = arith.cmpi ne, %rem3A_577, %ne3A_578 : i32
            %lt3A_580 = arith.constant 0 : i32
            %lt3A_581 = arith.cmpi slt, %rem3A_577, %lt3A_580 : i32
            %lt3A_582 = arith.constant 0 : i32
            %lt3A_583 = arith.cmpi slt, %select_n3A_576, %lt3A_582 : i32
            %ne3A_584 = arith.xori %lt3A_581, %lt3A_583 : i1
            %and3A_585 = arith.andi %ne3A_584, %ne3A_579 : i1
            %add3A_586 = arith.addi %rem3A_577, %select_n3A_576 : i32
            %select_n3A_587 = arith.select %and3A_585, %add3A_586, %rem3A_577 : i32
            %dma_wait3A_588 = arith.constant 0 : i32
            %dma_wait3A_589 = arith.constant 0 : i32
            %dma_wait3A_590 = tpu.memref_slice %arg12[%select_n3A_587, %dma_wait3A_588, %dma_wait3A_589] : memref<4x128x128xf32, #tpu.memory_space<vmem>> -> memref<1x128x128xf32, #tpu.memory_space<vmem>>
            %dma_wait3A_591 = tpu.memref_squeeze %dma_wait3A_590 : memref<1x128x128xf32, #tpu.memory_space<vmem>> -> memref<128x128xf32, #tpu.memory_space<vmem>>
            %dma_wait3A_592 = arith.constant 0 : i32
            %dma_wait3A_593 = arith.constant 0 : i32
            %dma_wait3A_594 = tpu.memref_slice %arg2[%dma_wait3A_592, %dma_wait3A_593] : memref<10240x128xf32, #tpu.memory_space<hbm>> -> memref<128x128xf32, #tpu.memory_space<hbm>>
            %dma_wait3A_595 = arith.constant 0 : i32
            %dma_wait3A_596 = arith.constant 0 : i32
            %dma_wait3A_597 = tpu.memref_slice %arg12[%select_n3A_587, %dma_wait3A_595, %dma_wait3A_596] : memref<4x128x128xf32, #tpu.memory_space<vmem>> -> memref<1x128x128xf32, #tpu.memory_space<vmem>>
            %dma_wait3A_598 = tpu.memref_squeeze %dma_wait3A_597 : memref<1x128x128xf32, #tpu.memory_space<vmem>> -> memref<128x128xf32, #tpu.memory_space<vmem>>
            %dma_wait3A_599 = arith.constant 0 : i32
            %dma_wait3A_600 = arith.constant 0 : i32
            %dma_wait3A_601 = tpu.memref_slice %arg2[%dma_wait3A_599, %dma_wait3A_600] : memref<10240x128xf32, #tpu.memory_space<hbm>> -> memref<128x128xf32, #tpu.memory_space<hbm>>
            tpu.wait_dma2 semaphore(%arg15 : memref<!tpu.dma_semaphore, #tpu.memory_space<semaphore_mem>>) src(%dma_wait3A_601 : memref<128x128xf32, #tpu.memory_space<hbm>>) dst(%dma_wait3A_598 : memref<128x128xf32, #tpu.memory_space<vmem>>)
            "tpu.region"() ({
              %run_scoped3A = tpu.sem_alloc : memref<!tpu.dma_semaphore, #tpu.memory_space<semaphore_mem>>
              %dma_start3A_602 = arith.constant 0 : i32
              %dma_start3A_603 = arith.constant 0 : i32
              %dma_start3A_604 = tpu.memref_slice %arg12[%select_n3A_587, %dma_start3A_602, %dma_start3A_603] : memref<4x128x128xf32, #tpu.memory_space<vmem>> -> memref<1x128x128xf32, #tpu.memory_space<vmem>>
              %dma_start3A_605 = tpu.memref_squeeze %dma_start3A_604 : memref<1x128x128xf32, #tpu.memory_space<vmem>> -> memref<128x128xf32, #tpu.memory_space<vmem>>
              %dma_start3A_606 = arith.constant 0 : i32
              %dma_start3A_607 = tpu.memref_slice %arg11[%select_n3A_587, %dma_start3A_606] : memref<4x128xi32, #tpu.memory_space<vmem>> -> memref<1x128xi32, #tpu.memory_space<vmem>>
              %dma_start3A_608 = tpu.memref_squeeze %dma_start3A_607 : memref<1x128xi32, #tpu.memory_space<vmem>> -> memref<128xi32, #tpu.memory_space<vmem>>
              %dma_start3A_609 = arith.constant 0 : i32
              %dma_start3A_610 = arith.constant 0 : i32
              %dma_start3A_611 = tpu.memref_slice %arg14[%dma_start3A_609, %dma_start3A_610] : memref<5120x128xf32, #tpu.memory_space<vmem_shared>> -> memref<5120x128xf32, #tpu.memory_space<vmem_shared>>
              tpu.enqueue_indirect_dma source(%dma_start3A_605 : memref<128x128xf32, #tpu.memory_space<vmem>>) target(%dma_start3A_611 : memref<5120x128xf32, #tpu.memory_space<vmem_shared>>) offsets(%dma_start3A_608 : memref<128xi32, #tpu.memory_space<vmem>>) semaphore(%run_scoped3A : memref<!tpu.dma_semaphore, #tpu.memory_space<semaphore_mem>>) {add = true}
              %dma_wait3A_612 = arith.constant 0 : i32
              %dma_wait3A_613 = arith.constant 0 : i32
              %dma_wait3A_614 = tpu.memref_slice %arg12[%select_n3A_587, %dma_wait3A_612, %dma_wait3A_613] : memref<4x128x128xf32, #tpu.memory_space<vmem>> -> memref<1x128x128xf32, #tpu.memory_space<vmem>>
              %dma_wait3A_615 = tpu.memref_squeeze %dma_wait3A_614 : memref<1x128x128xf32, #tpu.memory_space<vmem>> -> memref<128x128xf32, #tpu.memory_space<vmem>>
              %dma_wait3A_616 = arith.constant 0 : i32
              %dma_wait3A_617 = tpu.memref_slice %arg11[%select_n3A_587, %dma_wait3A_616] : memref<4x128xi32, #tpu.memory_space<vmem>> -> memref<1x128xi32, #tpu.memory_space<vmem>>
              %dma_wait3A_618 = tpu.memref_squeeze %dma_wait3A_617 : memref<1x128xi32, #tpu.memory_space<vmem>> -> memref<128xi32, #tpu.memory_space<vmem>>
              %dma_wait3A_619 = arith.constant 0 : i32
              %dma_wait3A_620 = arith.constant 0 : i32
              %dma_wait3A_621 = tpu.memref_slice %arg14[%dma_wait3A_619, %dma_wait3A_620] : memref<5120x128xf32, #tpu.memory_space<vmem_shared>> -> memref<5120x128xf32, #tpu.memory_space<vmem_shared>>
              tpu.wait_indirect_dma semaphore(%run_scoped3A : memref<!tpu.dma_semaphore, #tpu.memory_space<semaphore_mem>>) src(%dma_wait3A_615 : memref<128x128xf32, #tpu.memory_space<vmem>>) dst(%dma_wait3A_621 : memref<5120x128xf32, #tpu.memory_space<vmem_shared>>)
              tpu.yield
            }) : () -> ()
          } else {
          }
          %get3A_448 = arith.constant 0 : index
          %get3A_449 = tpu.vector_load %arg8[%get3A_448] {strides = array<i32>} : memref<192xi32, #tpu.memory_space<vmem>>, vector<16xi32>,
          %swap3A_450 = arith.index_cast %select_n3A_442 : i32 to index
          %swap3A_451 = arith.constant 0 : index
          %swap3A_452 = tpu.vector_load %arg10[%swap3A_450, %swap3A_451] {strides = array<i32>} : memref<4x128xi32, #tpu.memory_space<vmem>>, vector<16xi32>,
          tpu.vector_store %arg10[%swap3A_450, %swap3A_451], %get3A_449 {strides = array<i32>} : memref<4x128xi32, #tpu.memory_space<vmem>>, vector<16xi32>,
          %get3A_453 = arith.constant 0 : index
          %get3A_454 = tpu.vector_load %arg9[%get3A_453] {strides = array<i32>} : memref<192xi32, #tpu.memory_space<vmem>>, vector<16xi32>,
          %swap3A_455 = arith.index_cast %select_n3A_442 : i32 to index
          %swap3A_456 = arith.constant 0 : index
          %swap3A_457 = tpu.vector_load %arg11[%swap3A_455, %swap3A_456] {strides = array<i32>} : memref<4x128xi32, #tpu.memory_space<vmem>>, vector<16xi32>,
          tpu.vector_store %arg11[%swap3A_455, %swap3A_456], %get3A_454 {strides = array<i32>} : memref<4x128xi32, #tpu.memory_space<vmem>>, vector<16xi32>,
          %get3A_458 = arith.constant 16 : index
          %get3A_459 = tpu.vector_load %arg8[%get3A_458] {strides = array<i32>} : memref<192xi32, #tpu.memory_space<vmem>>, vector<16xi32>,
          %swap3A_460 = arith.index_cast %select_n3A_442 : i32 to index
          %swap3A_461 = arith.constant 16 : index
          %swap3A_462 = tpu.vector_load %arg10[%swap3A_460, %swap3A_461] {strides = array<i32>} : memref<4x128xi32, #tpu.memory_space<vmem>>, vector<16xi32>,
          tpu.vector_store %arg10[%swap3A_460, %swap3A_461], %get3A_459 {strides = array<i32>} : memref<4x128xi32, #tpu.memory_space<vmem>>, vector<16xi32>,
          %get3A_463 = arith.constant 16 : index
          %get3A_464 = tpu.vector_load %arg9[%get3A_463] {strides = array<i32>} : memref<192xi32, #tpu.memory_space<vmem>>, vector<16xi32>,
          %swap3A_465 = arith.index_cast %select_n3A_442 : i32 to index
          %swap3A_466 = arith.constant 16 : index
          %swap3A_467 = tpu.vector_load %arg11[%swap3A_465, %swap3A_466] {strides = array<i32>} : memref<4x128xi32, #tpu.memory_space<vmem>>, vector<16xi32>,
          tpu.vector_store %arg11[%swap3A_465, %swap3A_466], %get3A_464 {strides = array<i32>} : memref<4x128xi32, #tpu.memory_space<vmem>>, vector<16xi32>,
          %get3A_468 = arith.constant 32 : index
          %get3A_469 = tpu.vector_load %arg8[%get3A_468] {strides = array<i32>} : memref<192xi32, #tpu.memory_space<vmem>>, vector<16xi32>,
          %swap3A_470 = arith.index_cast %select_n3A_442 : i32 to index
          %swap3A_471 = arith.constant 32 : index
          %swap3A_472 = tpu.vector_load %arg10[%swap3A_470, %swap3A_471] {strides = array<i32>} : memref<4x128xi32, #tpu.memory_space<vmem>>, vector<16xi32>,
          tpu.vector_store %arg10[%swap3A_470, %swap3A_471], %get3A_469 {strides = array<i32>} : memref<4x128xi32, #tpu.memory_space<vmem>>, vector<16xi32>,
          %get3A_473 = arith.constant 32 : index
          %get3A_474 = tpu.vector_load %arg9[%get3A_473] {strides = array<i32>} : memref<192xi32, #tpu.memory_space<vmem>>, vector<16xi32>,
          %swap3A_475 = arith.index_cast %select_n3A_442 : i32 to index
          %swap3A_476 = arith.constant 32 : index
          %swap3A_477 = tpu.vector_load %arg11[%swap3A_475, %swap3A_476] {strides = array<i32>} : memref<4x128xi32, #tpu.memory_space<vmem>>, vector<16xi32>,
          tpu.vector_store %arg11[%swap3A_475, %swap3A_476], %get3A_474 {strides = array<i32>} : memref<4x128xi32, #tpu.memory_space<vmem>>, vector<16xi32>,
          %get3A_478 = arith.constant 48 : index
          %get3A_479 = tpu.vector_load %arg8[%get3A_478] {strides = array<i32>} : memref<192xi32, #tpu.memory_space<vmem>>, vector<16xi32>,
          %swap3A_480 = arith.index_cast %select_n3A_442 : i32 to index
          %swap3A_481 = arith.constant 48 : index
          %swap3A_482 = tpu.vector_load %arg10[%swap3A_480, %swap3A_481] {strides = array<i32>} : memref<4x128xi32, #tpu.memory_space<vmem>>, vector<16xi32>,
          tpu.vector_store %arg10[%swap3A_480, %swap3A_481], %get3A_479 {strides = array<i32>} : memref<4x128xi32, #tpu.memory_space<vmem>>, vector<16xi32>,
          %get3A_483 = arith.constant 48 : index
          %get3A_484 = tpu.vector_load %arg9[%get3A_483] {strides = array<i32>} : memref<192xi32, #tpu.memory_space<vmem>>, vector<16xi32>,
          %swap3A_485 = arith.index_cast %select_n3A_442 : i32 to index
          %swap3A_486 = arith.constant 48 : index
          %swap3A_487 = tpu.vector_load %arg11[%swap3A_485, %swap3A_486] {strides = array<i32>} : memref<4x128xi32, #tpu.memory_space<vmem>>, vector<16xi32>,
          tpu.vector_store %arg11[%swap3A_485, %swap3A_486], %get3A_484 {strides = array<i32>} : memref<4x128xi32, #tpu.memory_space<vmem>>, vector<16xi32>,
          %get3A_488 = arith.constant 64 : index
          %get3A_489 = tpu.vector_load %arg8[%get3A_488] {strides = array<i32>} : memref<192xi32, #tpu.memory_space<vmem>>, vector<16xi32>,
          %swap3A_490 = arith.index_cast %select_n3A_442 : i32 to index
          %swap3A_491 = arith.constant 64 : index
          %swap3A_492 = tpu.vector_load %arg10[%swap3A_490, %swap3A_491] {strides = array<i32>} : memref<4x128xi32, #tpu.memory_space<vmem>>, vector<16xi32>,
          tpu.vector_store %arg10[%swap3A_490, %swap3A_491], %get3A_489 {strides = array<i32>} : memref<4x128xi32, #tpu.memory_space<vmem>>, vector<16xi32>,
          %get3A_493 = arith.constant 64 : index
          %get3A_494 = tpu.vector_load %arg9[%get3A_493] {strides = array<i32>} : memref<192xi32, #tpu.memory_space<vmem>>, vector<16xi32>,
          %swap3A_495 = arith.index_cast %select_n3A_442 : i32 to index
          %swap3A_496 = arith.constant 64 : index
          %swap3A_497 = tpu.vector_load %arg11[%swap3A_495, %swap3A_496] {strides = array<i32>} : memref<4x128xi32, #tpu.memory_space<vmem>>, vector<16xi32>,
          tpu.vector_store %arg11[%swap3A_495, %swap3A_496], %get3A_494 {strides = array<i32>} : memref<4x128xi32, #tpu.memory_space<vmem>>, vector<16xi32>,
          %get3A_498 = arith.constant 80 : index
          %get3A_499 = tpu.vector_load %arg8[%get3A_498] {strides = array<i32>} : memref<192xi32, #tpu.memory_space<vmem>>, vector<16xi32>,
          %swap3A_500 = arith.index_cast %select_n3A_442 : i32 to index
          %swap3A_501 = arith.constant 80 : index
          %swap3A_502 = tpu.vector_load %arg10[%swap3A_500, %swap3A_501] {strides = array<i32>} : memref<4x128xi32, #tpu.memory_space<vmem>>, vector<16xi32>,
          tpu.vector_store %arg10[%swap3A_500, %swap3A_501], %get3A_499 {strides = array<i32>} : memref<4x128xi32, #tpu.memory_space<vmem>>, vector<16xi32>,
          %get3A_503 = arith.constant 80 : index
          %get3A_504 = tpu.vector_load %arg9[%get3A_503] {strides = array<i32>} : memref<192xi32, #tpu.memory_space<vmem>>, vector<16xi32>,
          %swap3A_505 = arith.index_cast %select_n3A_442 : i32 to index
          %swap3A_506 = arith.constant 80 : index
          %swap3A_507 = tpu.vector_load %arg11[%swap3A_505, %swap3A_506] {strides = array<i32>} : memref<4x128xi32, #tpu.memory_space<vmem>>, vector<16xi32>,
          tpu.vector_store %arg11[%swap3A_505, %swap3A_506], %get3A_504 {strides = array<i32>} : memref<4x128xi32, #tpu.memory_space<vmem>>, vector<16xi32>,
          %get3A_508 = arith.constant 96 : index
          %get3A_509 = tpu.vector_load %arg8[%get3A_508] {strides = array<i32>} : memref<192xi32, #tpu.memory_space<vmem>>, vector<16xi32>,
          %swap3A_510 = arith.index_cast %select_n3A_442 : i32 to index
          %swap3A_511 = arith.constant 96 : index
          %swap3A_512 = tpu.vector_load %arg10[%swap3A_510, %swap3A_511] {strides = array<i32>} : memref<4x128xi32, #tpu.memory_space<vmem>>, vector<16xi32>,
          tpu.vector_store %arg10[%swap3A_510, %swap3A_511], %get3A_509 {strides = array<i32>} : memref<4x128xi32, #tpu.memory_space<vmem>>, vector<16xi32>,
          %get3A_513 = arith.constant 96 : index
          %get3A_514 = tpu.vector_load %arg9[%get3A_513] {strides = array<i32>} : memref<192xi32, #tpu.memory_space<vmem>>, vector<16xi32>,
          %swap3A_515 = arith.index_cast %select_n3A_442 : i32 to index
          %swap3A_516 = arith.constant 96 : index
          %swap3A_517 = tpu.vector_load %arg11[%swap3A_515, %swap3A_516] {strides = array<i32>} : memref<4x128xi32, #tpu.memory_space<vmem>>, vector<16xi32>,
          tpu.vector_store %arg11[%swap3A_515, %swap3A_516], %get3A_514 {strides = array<i32>} : memref<4x128xi32, #tpu.memory_space<vmem>>, vector<16xi32>,
          %get3A_518 = arith.constant 112 : index
          %get3A_519 = tpu.vector_load %arg8[%get3A_518] {strides = array<i32>} : memref<192xi32, #tpu.memory_space<vmem>>, vector<16xi32>,
          %swap3A_520 = arith.index_cast %select_n3A_442 : i32 to index
          %swap3A_521 = arith.constant 112 : index
          %swap3A_522 = tpu.vector_load %arg10[%swap3A_520, %swap3A_521] {strides = array<i32>} : memref<4x128xi32, #tpu.memory_space<vmem>>, vector<16xi32>,
          tpu.vector_store %arg10[%swap3A_520, %swap3A_521], %get3A_519 {strides = array<i32>} : memref<4x128xi32, #tpu.memory_space<vmem>>, vector<16xi32>,
          %get3A_523 = arith.constant 112 : index
          %get3A_524 = tpu.vector_load %arg9[%get3A_523] {strides = array<i32>} : memref<192xi32, #tpu.memory_space<vmem>>, vector<16xi32>,
          %swap3A_525 = arith.index_cast %select_n3A_442 : i32 to index
          %swap3A_526 = arith.constant 112 : index
          %swap3A_527 = tpu.vector_load %arg11[%swap3A_525, %swap3A_526] {strides = array<i32>} : memref<4x128xi32, #tpu.memory_space<vmem>>, vector<16xi32>,
          tpu.vector_store %arg11[%swap3A_525, %swap3A_526], %get3A_524 {strides = array<i32>} : memref<4x128xi32, #tpu.memory_space<vmem>>, vector<16xi32>,
          %dma_start3A_528 = arith.constant 0 : i32
          %dma_start3A_529 = arith.constant 0 : i32
          %dma_start3A_530 = tpu.memref_slice %arg12[%select_n3A_442, %dma_start3A_528, %dma_start3A_529] : memref<4x128x128xf32, #tpu.memory_space<vmem>> -> memref<1x128x128xf32, #tpu.memory_space<vmem>>
          %dma_start3A_531 = tpu.memref_squeeze %dma_start3A_530 : memref<1x128x128xf32, #tpu.memory_space<vmem>> -> memref<128x128xf32, #tpu.memory_space<vmem>>
          %dma_start3A_532 = arith.constant 0 : i32
          %dma_start3A_533 = tpu.memref_slice %arg10[%select_n3A_442, %dma_start3A_532] : memref<4x128xi32, #tpu.memory_space<vmem>> -> memref<1x128xi32, #tpu.memory_space<vmem>>
          %dma_start3A_534 = tpu.memref_squeeze %dma_start3A_533 : memref<1x128xi32, #tpu.memory_space<vmem>> -> memref<128xi32, #tpu.memory_space<vmem>>
          %dma_start3A_535 = arith.constant 0 : i32
          %dma_start3A_536 = arith.constant 0 : i32
          %dma_start3A_537 = tpu.memref_slice %arg2[%dma_start3A_535, %dma_start3A_536] : memref<10240x128xf32, #tpu.memory_space<hbm>> -> memref<10240x128xf32, #tpu.memory_space<hbm>>
          tpu.enqueue_indirect_dma source(%dma_start3A_537 : memref<10240x128xf32, #tpu.memory_space<hbm>>) target(%dma_start3A_531 : memref<128x128xf32, #tpu.memory_space<vmem>>) offsets(%dma_start3A_534 : memref<128xi32, #tpu.memory_space<vmem>>) semaphore(%arg15 : memref<!tpu.dma_semaphore, #tpu.memory_space<semaphore_mem>>)
          %get3A_538 = arith.constant 128 : index
          %get3A_539 = tpu.vector_load %arg8[%get3A_538] {strides = array<i32>} : memref<192xi32, #tpu.memory_space<vmem>>, vector<16xi32>,
          %swap3A_540 = arith.constant 0 : index
          %swap3A_541 = tpu.vector_load %arg8[%swap3A_540] {strides = array<i32>} : memref<192xi32, #tpu.memory_space<vmem>>, vector<16xi32>,
          tpu.vector_store %arg8[%swap3A_540], %get3A_539 {strides = array<i32>} : memref<192xi32, #tpu.memory_space<vmem>>, vector<16xi32>,
          %get3A_542 = arith.constant 128 : index
          %get3A_543 = tpu.vector_load %arg9[%get3A_542] {strides = array<i32>} : memref<192xi32, #tpu.memory_space<vmem>>, vector<16xi32>,
          %swap3A_544 = arith.constant 0 : index
          %swap3A_545 = tpu.vector_load %arg9[%swap3A_544] {strides = array<i32>} : memref<192xi32, #tpu.memory_space<vmem>>, vector<16xi32>,
          tpu.vector_store %arg9[%swap3A_544], %get3A_543 {strides = array<i32>} : memref<192xi32, #tpu.memory_space<vmem>>, vector<16xi32>,
          %get3A_546 = arith.constant 144 : index
          %get3A_547 = tpu.vector_load %arg8[%get3A_546] {strides = array<i32>} : memref<192xi32, #tpu.memory_space<vmem>>, vector<16xi32>,
          %swap3A_548 = arith.constant 16 : index
          %swap3A_549 = tpu.vector_load %arg8[%swap3A_548] {strides = array<i32>} : memref<192xi32, #tpu.memory_space<vmem>>, vector<16xi32>,
          tpu.vector_store %arg8[%swap3A_548], %get3A_547 {strides = array<i32>} : memref<192xi32, #tpu.memory_space<vmem>>, vector<16xi32>,
          %get3A_550 = arith.constant 144 : index
          %get3A_551 = tpu.vector_load %arg9[%get3A_550] {strides = array<i32>} : memref<192xi32, #tpu.memory_space<vmem>>, vector<16xi32>,
          %swap3A_552 = arith.constant 16 : index
          %swap3A_553 = tpu.vector_load %arg9[%swap3A_552] {strides = array<i32>} : memref<192xi32, #tpu.memory_space<vmem>>, vector<16xi32>,
          tpu.vector_store %arg9[%swap3A_552], %get3A_551 {strides = array<i32>} : memref<192xi32, #tpu.memory_space<vmem>>, vector<16xi32>,
          %get3A_554 = arith.constant 160 : index
          %get3A_555 = tpu.vector_load %arg8[%get3A_554] {strides = array<i32>} : memref<192xi32, #tpu.memory_space<vmem>>, vector<16xi32>,
          %swap3A_556 = arith.constant 32 : index
          %swap3A_557 = tpu.vector_load %arg8[%swap3A_556] {strides = array<i32>} : memref<192xi32, #tpu.memory_space<vmem>>, vector<16xi32>,
          tpu.vector_store %arg8[%swap3A_556], %get3A_555 {strides = array<i32>} : memref<192xi32, #tpu.memory_space<vmem>>, vector<16xi32>,
          %get3A_558 = arith.constant 160 : index
          %get3A_559 = tpu.vector_load %arg9[%get3A_558] {strides = array<i32>} : memref<192xi32, #tpu.memory_space<vmem>>, vector<16xi32>,
          %swap3A_560 = arith.constant 32 : index
          %swap3A_561 = tpu.vector_load %arg9[%swap3A_560] {strides = array<i32>} : memref<192xi32, #tpu.memory_space<vmem>>, vector<16xi32>,
          tpu.vector_store %arg9[%swap3A_560], %get3A_559 {strides = array<i32>} : memref<192xi32, #tpu.memory_space<vmem>>, vector<16xi32>,
          %get3A_562 = arith.constant 176 : index
          %get3A_563 = tpu.vector_load %arg8[%get3A_562] {strides = array<i32>} : memref<192xi32, #tpu.memory_space<vmem>>, vector<16xi32>,
          %swap3A_564 = arith.constant 48 : index
          %swap3A_565 = tpu.vector_load %arg8[%swap3A_564] {strides = array<i32>} : memref<192xi32, #tpu.memory_space<vmem>>, vector<16xi32>,
          tpu.vector_store %arg8[%swap3A_564], %get3A_563 {strides = array<i32>} : memref<192xi32, #tpu.memory_space<vmem>>, vector<16xi32>,
          %get3A_566 = arith.constant 176 : index
          %get3A_567 = tpu.vector_load %arg9[%get3A_566] {strides = array<i32>} : memref<192xi32, #tpu.memory_space<vmem>>, vector<16xi32>,
          %swap3A_568 = arith.constant 48 : index
          %swap3A_569 = tpu.vector_load %arg9[%swap3A_568] {strides = array<i32>} : memref<192xi32, #tpu.memory_space<vmem>>, vector<16xi32>,
          tpu.vector_store %arg9[%swap3A_568], %get3A_567 {strides = array<i32>} : memref<192xi32, #tpu.memory_space<vmem>>, vector<16xi32>,
        } else {
        }
        %sub3A_421 = arith.constant 128 : i32
        %sub3A_422 = arith.subi %add3A_415, %sub3A_421 : i32
        %select_n3A_423 = arith.select %ge3A_417, %sub3A_422, %add3A_415 : i32
        %add3A_424 = arith.constant 1 : i32
        %add3A_425 = arith.addi %scan3A_316, %add3A_424 : i32
        %select_n3A_426 = arith.select %ge3A_417, %add3A_425, %scan3A_316 : i32
        scf.yield %select_n3A_423, %select_n3A_426 : i32, i32
      }
      %scan3A_311 = arith.constant 32 : i32
      %sub3A_312 = arith.constant 1 : i32
      %sub3A_313 = arith.subi %sub3A_312, %scan3A_278 : i32
      scf.yield %scan3A_310#0, %scan3A_310#1, %sub3A_313 : i32, i32, i32
    }
    %scan3A_48 = arith.constant 160 : i32
    %sub3A = arith.constant 3 : i32
    %sub3A_49 = arith.subi %scan3A_47#1, %sub3A : i32
    %add3A_50 = arith.constant 0 : i32
    %add3A_51 = arith.addi %sub3A_49, %add3A_50 : i32
    %ge3A = arith.constant 0 : i32
    %ge3A_52 = arith.cmpi sge, %add3A_51, %ge3A : i32
    %lt3A = arith.cmpi slt, %add3A_51, %scan3A_47#1 : i32
    %and3A = arith.andi %ge3A_52, %lt3A : i1
    %convert_element_type3A = arith.extui %and3A : i1 to i32
    %cond3A = arith.constant 0 : i32
    %cond3A_53 = arith.cmpi ne, %convert_element_type3A, %cond3A : i32
    scf.if %cond3A_53 {
      %jit3A_275 = arith.constant 4 : i32
      %eq3A_276 = arith.constant 0 : i32
      %eq3A_277 = arith.cmpi eq, %jit3A_275, %eq3A_276 : i32
      %jit3A_278 = arith.constant 1 : i32
      %select_n3A_279 = arith.select %eq3A_277, %jit3A_278, %jit3A_275 : i32
      %rem3A_280 = arith.remsi %add3A_51, %select_n3A_279 : i32
      %ne3A_281 = arith.constant 0 : i32
      %ne3A_282 = arith.cmpi ne, %rem3A_280, %ne3A_281 : i32
      %lt3A_283 = arith.constant 0 : i32
      %lt3A_284 = arith.cmpi slt, %rem3A_280, %lt3A_283 : i32
      %lt3A_285 = arith.constant 0 : i32
      %lt3A_286 = arith.cmpi slt, %select_n3A_279, %lt3A_285 : i32
      %ne3A_287 = arith.xori %lt3A_284, %lt3A_286 : i1
      %and3A_288 = arith.andi %ne3A_287, %ne3A_282 : i1
      %add3A_289 = arith.addi %rem3A_280, %select_n3A_279 : i32
      %select_n3A_290 = arith.select %and3A_288, %add3A_289, %rem3A_280 : i32
      %dma_wait3A_291 = arith.constant 0 : i32
      %dma_wait3A_292 = arith.constant 0 : i32
      %dma_wait3A_293 = tpu.memref_slice %arg12[%select_n3A_290, %dma_wait3A_291, %dma_wait3A_292] : memref<4x128x128xf32, #tpu.memory_space<vmem>> -> memref<1x128x128xf32, #tpu.memory_space<vmem>>
      %dma_wait3A_294 = tpu.memref_squeeze %dma_wait3A_293 : memref<1x128x128xf32, #tpu.memory_space<vmem>> -> memref<128x128xf32, #tpu.memory_space<vmem>>
      %dma_wait3A_295 = arith.constant 0 : i32
      %dma_wait3A_296 = arith.constant 0 : i32
      %dma_wait3A_297 = tpu.memref_slice %arg2[%dma_wait3A_295, %dma_wait3A_296] : memref<10240x128xf32, #tpu.memory_space<hbm>> -> memref<128x128xf32, #tpu.memory_space<hbm>>
      %dma_wait3A_298 = arith.constant 0 : i32
      %dma_wait3A_299 = arith.constant 0 : i32
      %dma_wait3A_300 = tpu.memref_slice %arg12[%select_n3A_290, %dma_wait3A_298, %dma_wait3A_299] : memref<4x128x128xf32, #tpu.memory_space<vmem>> -> memref<1x128x128xf32, #tpu.memory_space<vmem>>
      %dma_wait3A_301 = tpu.memref_squeeze %dma_wait3A_300 : memref<1x128x128xf32, #tpu.memory_space<vmem>> -> memref<128x128xf32, #tpu.memory_space<vmem>>
      %dma_wait3A_302 = arith.constant 0 : i32
      %dma_wait3A_303 = arith.constant 0 : i32
      %dma_wait3A_304 = tpu.memref_slice %arg2[%dma_wait3A_302, %dma_wait3A_303] : memref<10240x128xf32, #tpu.memory_space<hbm>> -> memref<128x128xf32, #tpu.memory_space<hbm>>
      tpu.wait_dma2 semaphore(%arg15 : memref<!tpu.dma_semaphore, #tpu.memory_space<semaphore_mem>>) src(%dma_wait3A_304 : memref<128x128xf32, #tpu.memory_space<hbm>>) dst(%dma_wait3A_301 : memref<128x128xf32, #tpu.memory_space<vmem>>)
      "tpu.region"() ({
        %run_scoped3A = tpu.sem_alloc : memref<!tpu.dma_semaphore, #tpu.memory_space<semaphore_mem>>
        %dma_start3A_305 = arith.constant 0 : i32
        %dma_start3A_306 = arith.constant 0 : i32
        %dma_start3A_307 = tpu.memref_slice %arg12[%select_n3A_290, %dma_start3A_305, %dma_start3A_306] : memref<4x128x128xf32, #tpu.memory_space<vmem>> -> memref<1x128x128xf32, #tpu.memory_space<vmem>>
        %dma_start3A_308 = tpu.memref_squeeze %dma_start3A_307 : memref<1x128x128xf32, #tpu.memory_space<vmem>> -> memref<128x128xf32, #tpu.memory_space<vmem>>
        %dma_start3A_309 = arith.constant 0 : i32
        %dma_start3A_310 = tpu.memref_slice %arg11[%select_n3A_290, %dma_start3A_309] : memref<4x128xi32, #tpu.memory_space<vmem>> -> memref<1x128xi32, #tpu.memory_space<vmem>>
        %dma_start3A_311 = tpu.memref_squeeze %dma_start3A_310 : memref<1x128xi32, #tpu.memory_space<vmem>> -> memref<128xi32, #tpu.memory_space<vmem>>
        %dma_start3A_312 = arith.constant 0 : i32
        %dma_start3A_313 = arith.constant 0 : i32
        %dma_start3A_314 = tpu.memref_slice %arg14[%dma_start3A_312, %dma_start3A_313] : memref<5120x128xf32, #tpu.memory_space<vmem_shared>> -> memref<5120x128xf32, #tpu.memory_space<vmem_shared>>
        tpu.enqueue_indirect_dma source(%dma_start3A_308 : memref<128x128xf32, #tpu.memory_space<vmem>>) target(%dma_start3A_314 : memref<5120x128xf32, #tpu.memory_space<vmem_shared>>) offsets(%dma_start3A_311 : memref<128xi32, #tpu.memory_space<vmem>>) semaphore(%run_scoped3A : memref<!tpu.dma_semaphore, #tpu.memory_space<semaphore_mem>>) {add = true}
        %dma_wait3A_315 = arith.constant 0 : i32
        %dma_wait3A_316 = arith.constant 0 : i32
        %dma_wait3A_317 = tpu.memref_slice %arg12[%select_n3A_290, %dma_wait3A_315, %dma_wait3A_316] : memref<4x128x128xf32, #tpu.memory_space<vmem>> -> memref<1x128x128xf32, #tpu.memory_space<vmem>>
        %dma_wait3A_318 = tpu.memref_squeeze %dma_wait3A_317 : memref<1x128x128xf32, #tpu.memory_space<vmem>> -> memref<128x128xf32, #tpu.memory_space<vmem>>
        %dma_wait3A_319 = arith.constant 0 : i32
        %dma_wait3A_320 = tpu.memref_slice %arg11[%select_n3A_290, %dma_wait3A_319] : memref<4x128xi32, #tpu.memory_space<vmem>> -> memref<1x128xi32, #tpu.memory_space<vmem>>
        %dma_wait3A_321 = tpu.memref_squeeze %dma_wait3A_320 : memref<1x128xi32, #tpu.memory_space<vmem>> -> memref<128xi32, #tpu.memory_space<vmem>>
        %dma_wait3A_322 = arith.constant 0 : i32
        %dma_wait3A_323 = arith.constant 0 : i32
        %dma_wait3A_324 = tpu.memref_slice %arg14[%dma_wait3A_322, %dma_wait3A_323] : memref<5120x128xf32, #tpu.memory_space<vmem_shared>> -> memref<5120x128xf32, #tpu.memory_space<vmem_shared>>
        tpu.wait_indirect_dma semaphore(%run_scoped3A : memref<!tpu.dma_semaphore, #tpu.memory_space<semaphore_mem>>) src(%dma_wait3A_318 : memref<128x128xf32, #tpu.memory_space<vmem>>) dst(%dma_wait3A_324 : memref<5120x128xf32, #tpu.memory_space<vmem_shared>>)
        tpu.yield
      }) : () -> ()
    } else {
    }
    %sub3A_54 = arith.constant 3 : i32
    %sub3A_55 = arith.subi %scan3A_47#1, %sub3A_54 : i32
    %add3A_56 = arith.constant 1 : i32
    %add3A_57 = arith.addi %sub3A_55, %add3A_56 : i32
    %ge3A_58 = arith.constant 0 : i32
    %ge3A_59 = arith.cmpi sge, %add3A_57, %ge3A_58 : i32
    %lt3A_60 = arith.cmpi slt, %add3A_57, %scan3A_47#1 : i32
    %and3A_61 = arith.andi %ge3A_59, %lt3A_60 : i1
    %convert_element_type3A_62 = arith.extui %and3A_61 : i1 to i32
    %cond3A_63 = arith.constant 0 : i32
    %cond3A_64 = arith.cmpi ne, %convert_element_type3A_62, %cond3A_63 : i32
    scf.if %cond3A_64 {
      %jit3A_275 = arith.constant 4 : i32
      %eq3A_276 = arith.constant 0 : i32
      %eq3A_277 = arith.cmpi eq, %jit3A_275, %eq3A_276 : i32
      %jit3A_278 = arith.constant 1 : i32
      %select_n3A_279 = arith.select %eq3A_277, %jit3A_278, %jit3A_275 : i32
      %rem3A_280 = arith.remsi %add3A_57, %select_n3A_279 : i32
      %ne3A_281 = arith.constant 0 : i32
      %ne3A_282 = arith.cmpi ne, %rem3A_280, %ne3A_281 : i32
      %lt3A_283 = arith.constant 0 : i32
      %lt3A_284 = arith.cmpi slt, %rem3A_280, %lt3A_283 : i32
      %lt3A_285 = arith.constant 0 : i32
      %lt3A_286 = arith.cmpi slt, %select_n3A_279, %lt3A_285 : i32
      %ne3A_287 = arith.xori %lt3A_284, %lt3A_286 : i1
      %and3A_288 = arith.andi %ne3A_287, %ne3A_282 : i1
      %add3A_289 = arith.addi %rem3A_280, %select_n3A_279 : i32
      %select_n3A_290 = arith.select %and3A_288, %add3A_289, %rem3A_280 : i32
      %dma_wait3A_291 = arith.constant 0 : i32
      %dma_wait3A_292 = arith.constant 0 : i32
      %dma_wait3A_293 = tpu.memref_slice %arg12[%select_n3A_290, %dma_wait3A_291, %dma_wait3A_292] : memref<4x128x128xf32, #tpu.memory_space<vmem>> -> memref<1x128x128xf32, #tpu.memory_space<vmem>>
      %dma_wait3A_294 = tpu.memref_squeeze %dma_wait3A_293 : memref<1x128x128xf32, #tpu.memory_space<vmem>> -> memref<128x128xf32, #tpu.memory_space<vmem>>
      %dma_wait3A_295 = arith.constant 0 : i32
      %dma_wait3A_296 = arith.constant 0 : i32
      %dma_wait3A_297 = tpu.memref_slice %arg2[%dma_wait3A_295, %dma_wait3A_296] : memref<10240x128xf32, #tpu.memory_space<hbm>> -> memref<128x128xf32, #tpu.memory_space<hbm>>
      %dma_wait3A_298 = arith.constant 0 : i32
      %dma_wait3A_299 = arith.constant 0 : i32
      %dma_wait3A_300 = tpu.memref_slice %arg12[%select_n3A_290, %dma_wait3A_298, %dma_wait3A_299] : memref<4x128x128xf32, #tpu.memory_space<vmem>> -> memref<1x128x128xf32, #tpu.memory_space<vmem>>
      %dma_wait3A_301 = tpu.memref_squeeze %dma_wait3A_300 : memref<1x128x128xf32, #tpu.memory_space<vmem>> -> memref<128x128xf32, #tpu.memory_space<vmem>>
      %dma_wait3A_302 = arith.constant 0 : i32
      %dma_wait3A_303 = arith.constant 0 : i32
      %dma_wait3A_304 = tpu.memref_slice %arg2[%dma_wait3A_302, %dma_wait3A_303] : memref<10240x128xf32, #tpu.memory_space<hbm>> -> memref<128x128xf32, #tpu.memory_space<hbm>>
      tpu.wait_dma2 semaphore(%arg15 : memref<!tpu.dma_semaphore, #tpu.memory_space<semaphore_mem>>) src(%dma_wait3A_304 : memref<128x128xf32, #tpu.memory_space<hbm>>) dst(%dma_wait3A_301 : memref<128x128xf32, #tpu.memory_space<vmem>>)
      "tpu.region"() ({
        %run_scoped3A = tpu.sem_alloc : memref<!tpu.dma_semaphore, #tpu.memory_space<semaphore_mem>>
        %dma_start3A_305 = arith.constant 0 : i32
        %dma_start3A_306 = arith.constant 0 : i32
        %dma_start3A_307 = tpu.memref_slice %arg12[%select_n3A_290, %dma_start3A_305, %dma_start3A_306] : memref<4x128x128xf32, #tpu.memory_space<vmem>> -> memref<1x128x128xf32, #tpu.memory_space<vmem>>
        %dma_start3A_308 = tpu.memref_squeeze %dma_start3A_307 : memref<1x128x128xf32, #tpu.memory_space<vmem>> -> memref<128x128xf32, #tpu.memory_space<vmem>>
        %dma_start3A_309 = arith.constant 0 : i32
        %dma_start3A_310 = tpu.memref_slice %arg11[%select_n3A_290, %dma_start3A_309] : memref<4x128xi32, #tpu.memory_space<vmem>> -> memref<1x128xi32, #tpu.memory_space<vmem>>
        %dma_start3A_311 = tpu.memref_squeeze %dma_start3A_310 : memref<1x128xi32, #tpu.memory_space<vmem>> -> memref<128xi32, #tpu.memory_space<vmem>>
        %dma_start3A_312 = arith.constant 0 : i32
        %dma_start3A_313 = arith.constant 0 : i32
        %dma_start3A_314 = tpu.memref_slice %arg14[%dma_start3A_312, %dma_start3A_313] : memref<5120x128xf32, #tpu.memory_space<vmem_shared>> -> memref<5120x128xf32, #tpu.memory_space<vmem_shared>>
        tpu.enqueue_indirect_dma source(%dma_start3A_308 : memref<128x128xf32, #tpu.memory_space<vmem>>) target(%dma_start3A_314 : memref<5120x128xf32, #tpu.memory_space<vmem_shared>>) offsets(%dma_start3A_311 : memref<128xi32, #tpu.memory_space<vmem>>) semaphore(%run_scoped3A : memref<!tpu.dma_semaphore, #tpu.memory_space<semaphore_mem>>) {add = true}
        %dma_wait3A_315 = arith.constant 0 : i32
        %dma_wait3A_316 = arith.constant 0 : i32
        %dma_wait3A_317 = tpu.memref_slice %arg12[%select_n3A_290, %dma_wait3A_315, %dma_wait3A_316] : memref<4x128x128xf32, #tpu.memory_space<vmem>> -> memref<1x128x128xf32, #tpu.memory_space<vmem>>
        %dma_wait3A_318 = tpu.memref_squeeze %dma_wait3A_317 : memref<1x128x128xf32, #tpu.memory_space<vmem>> -> memref<128x128xf32, #tpu.memory_space<vmem>>
        %dma_wait3A_319 = arith.constant 0 : i32
        %dma_wait3A_320 = tpu.memref_slice %arg11[%select_n3A_290, %dma_wait3A_319] : memref<4x128xi32, #tpu.memory_space<vmem>> -> memref<1x128xi32, #tpu.memory_space<vmem>>
        %dma_wait3A_321 = tpu.memref_squeeze %dma_wait3A_320 : memref<1x128xi32, #tpu.memory_space<vmem>> -> memref<128xi32, #tpu.memory_space<vmem>>
        %dma_wait3A_322 = arith.constant 0 : i32
        %dma_wait3A_323 = arith.constant 0 : i32
        %dma_wait3A_324 = tpu.memref_slice %arg14[%dma_wait3A_322, %dma_wait3A_323] : memref<5120x128xf32, #tpu.memory_space<vmem_shared>> -> memref<5120x128xf32, #tpu.memory_space<vmem_shared>>
        tpu.wait_indirect_dma semaphore(%run_scoped3A : memref<!tpu.dma_semaphore, #tpu.memory_space<semaphore_mem>>) src(%dma_wait3A_318 : memref<128x128xf32, #tpu.memory_space<vmem>>) dst(%dma_wait3A_324 : memref<5120x128xf32, #tpu.memory_space<vmem_shared>>)
        tpu.yield
      }) : () -> ()
    } else {
    }
    %sub3A_65 = arith.constant 3 : i32
    %sub3A_66 = arith.subi %scan3A_47#1, %sub3A_65 : i32
    %add3A_67 = arith.constant 2 : i32
    %add3A_68 = arith.addi %sub3A_66, %add3A_67 : i32
    %ge3A_69 = arith.constant 0 : i32
    %ge3A_70 = arith.cmpi sge, %add3A_68, %ge3A_69 : i32
    %lt3A_71 = arith.cmpi slt, %add3A_68, %scan3A_47#1 : i32
    %and3A_72 = arith.andi %ge3A_70, %lt3A_71 : i1
    %convert_element_type3A_73 = arith.extui %and3A_72 : i1 to i32
    %cond3A_74 = arith.constant 0 : i32
    %cond3A_75 = arith.cmpi ne, %convert_element_type3A_73, %cond3A_74 : i32
    scf.if %cond3A_75 {
      %jit3A_275 = arith.constant 4 : i32
      %eq3A_276 = arith.constant 0 : i32
      %eq3A_277 = arith.cmpi eq, %jit3A_275, %eq3A_276 : i32
      %jit3A_278 = arith.constant 1 : i32
      %select_n3A_279 = arith.select %eq3A_277, %jit3A_278, %jit3A_275 : i32
      %rem3A_280 = arith.remsi %add3A_68, %select_n3A_279 : i32
      %ne3A_281 = arith.constant 0 : i32
      %ne3A_282 = arith.cmpi ne, %rem3A_280, %ne3A_281 : i32
      %lt3A_283 = arith.constant 0 : i32
      %lt3A_284 = arith.cmpi slt, %rem3A_280, %lt3A_283 : i32
      %lt3A_285 = arith.constant 0 : i32
      %lt3A_286 = arith.cmpi slt, %select_n3A_279, %lt3A_285 : i32
      %ne3A_287 = arith.xori %lt3A_284, %lt3A_286 : i1
      %and3A_288 = arith.andi %ne3A_287, %ne3A_282 : i1
      %add3A_289 = arith.addi %rem3A_280, %select_n3A_279 : i32
      %select_n3A_290 = arith.select %and3A_288, %add3A_289, %rem3A_280 : i32
      %dma_wait3A_291 = arith.constant 0 : i32
      %dma_wait3A_292 = arith.constant 0 : i32
      %dma_wait3A_293 = tpu.memref_slice %arg12[%select_n3A_290, %dma_wait3A_291, %dma_wait3A_292] : memref<4x128x128xf32, #tpu.memory_space<vmem>> -> memref<1x128x128xf32, #tpu.memory_space<vmem>>
      %dma_wait3A_294 = tpu.memref_squeeze %dma_wait3A_293 : memref<1x128x128xf32, #tpu.memory_space<vmem>> -> memref<128x128xf32, #tpu.memory_space<vmem>>
      %dma_wait3A_295 = arith.constant 0 : i32
      %dma_wait3A_296 = arith.constant 0 : i32
      %dma_wait3A_297 = tpu.memref_slice %arg2[%dma_wait3A_295, %dma_wait3A_296] : memref<10240x128xf32, #tpu.memory_space<hbm>> -> memref<128x128xf32, #tpu.memory_space<hbm>>
      %dma_wait3A_298 = arith.constant 0 : i32
      %dma_wait3A_299 = arith.constant 0 : i32
      %dma_wait3A_300 = tpu.memref_slice %arg12[%select_n3A_290, %dma_wait3A_298, %dma_wait3A_299] : memref<4x128x128xf32, #tpu.memory_space<vmem>> -> memref<1x128x128xf32, #tpu.memory_space<vmem>>
      %dma_wait3A_301 = tpu.memref_squeeze %dma_wait3A_300 : memref<1x128x128xf32, #tpu.memory_space<vmem>> -> memref<128x128xf32, #tpu.memory_space<vmem>>
      %dma_wait3A_302 = arith.constant 0 : i32
      %dma_wait3A_303 = arith.constant 0 : i32
      %dma_wait3A_304 = tpu.memref_slice %arg2[%dma_wait3A_302, %dma_wait3A_303] : memref<10240x128xf32, #tpu.memory_space<hbm>> -> memref<128x128xf32, #tpu.memory_space<hbm>>
      tpu.wait_dma2 semaphore(%arg15 : memref<!tpu.dma_semaphore, #tpu.memory_space<semaphore_mem>>) src(%dma_wait3A_304 : memref<128x128xf32, #tpu.memory_space<hbm>>) dst(%dma_wait3A_301 : memref<128x128xf32, #tpu.memory_space<vmem>>)
      "tpu.region"() ({
        %run_scoped3A = tpu.sem_alloc : memref<!tpu.dma_semaphore, #tpu.memory_space<semaphore_mem>>
        %dma_start3A_305 = arith.constant 0 : i32
        %dma_start3A_306 = arith.constant 0 : i32
        %dma_start3A_307 = tpu.memref_slice %arg12[%select_n3A_290, %dma_start3A_305, %dma_start3A_306] : memref<4x128x128xf32, #tpu.memory_space<vmem>> -> memref<1x128x128xf32, #tpu.memory_space<vmem>>
        %dma_start3A_308 = tpu.memref_squeeze %dma_start3A_307 : memref<1x128x128xf32, #tpu.memory_space<vmem>> -> memref<128x128xf32, #tpu.memory_space<vmem>>
        %dma_start3A_309 = arith.constant 0 : i32
        %dma_start3A_310 = tpu.memref_slice %arg11[%select_n3A_290, %dma_start3A_309] : memref<4x128xi32, #tpu.memory_space<vmem>> -> memref<1x128xi32, #tpu.memory_space<vmem>>
        %dma_start3A_311 = tpu.memref_squeeze %dma_start3A_310 : memref<1x128xi32, #tpu.memory_space<vmem>> -> memref<128xi32, #tpu.memory_space<vmem>>
        %dma_start3A_312 = arith.constant 0 : i32
        %dma_start3A_313 = arith.constant 0 : i32
        %dma_start3A_314 = tpu.memref_slice %arg14[%dma_start3A_312, %dma_start3A_313] : memref<5120x128xf32, #tpu.memory_space<vmem_shared>> -> memref<5120x128xf32, #tpu.memory_space<vmem_shared>>
        tpu.enqueue_indirect_dma source(%dma_start3A_308 : memref<128x128xf32, #tpu.memory_space<vmem>>) target(%dma_start3A_314 : memref<5120x128xf32, #tpu.memory_space<vmem_shared>>) offsets(%dma_start3A_311 : memref<128xi32, #tpu.memory_space<vmem>>) semaphore(%run_scoped3A : memref<!tpu.dma_semaphore, #tpu.memory_space<semaphore_mem>>) {add = true}
        %dma_wait3A_315 = arith.constant 0 : i32
        %dma_wait3A_316 = arith.constant 0 : i32
        %dma_wait3A_317 = tpu.memref_slice %arg12[%select_n3A_290, %dma_wait3A_315, %dma_wait3A_316] : memref<4x128x128xf32, #tpu.memory_space<vmem>> -> memref<1x128x128xf32, #tpu.memory_space<vmem>>
        %dma_wait3A_318 = tpu.memref_squeeze %dma_wait3A_317 : memref<1x128x128xf32, #tpu.memory_space<vmem>> -> memref<128x128xf32, #tpu.memory_space<vmem>>
        %dma_wait3A_319 = arith.constant 0 : i32
        %dma_wait3A_320 = tpu.memref_slice %arg11[%select_n3A_290, %dma_wait3A_319] : memref<4x128xi32, #tpu.memory_space<vmem>> -> memref<1x128xi32, #tpu.memory_space<vmem>>
        %dma_wait3A_321 = tpu.memref_squeeze %dma_wait3A_320 : memref<1x128xi32, #tpu.memory_space<vmem>> -> memref<128xi32, #tpu.memory_space<vmem>>
        %dma_wait3A_322 = arith.constant 0 : i32
        %dma_wait3A_323 = arith.constant 0 : i32
        %dma_wait3A_324 = tpu.memref_slice %arg14[%dma_wait3A_322, %dma_wait3A_323] : memref<5120x128xf32, #tpu.memory_space<vmem_shared>> -> memref<5120x128xf32, #tpu.memory_space<vmem_shared>>
        tpu.wait_indirect_dma semaphore(%run_scoped3A : memref<!tpu.dma_semaphore, #tpu.memory_space<semaphore_mem>>) src(%dma_wait3A_318 : memref<128x128xf32, #tpu.memory_space<vmem>>) dst(%dma_wait3A_324 : memref<5120x128xf32, #tpu.memory_space<vmem_shared>>)
        tpu.yield
      }) : () -> ()
    } else {
    }
    %jit3A = arith.constant 4 : i32
    %eq3A = arith.constant 0 : i32
    %eq3A_76 = arith.cmpi eq, %jit3A, %eq3A : i32
    %jit3A_77 = arith.constant 1 : i32
    %select_n3A = arith.select %eq3A_76, %jit3A_77, %jit3A : i32
    %rem3A = arith.remsi %scan3A_47#1, %select_n3A : i32
    %ne3A = arith.constant 0 : i32
    %ne3A_78 = arith.cmpi ne, %rem3A, %ne3A : i32
    %lt3A_79 = arith.constant 0 : i32
    %lt3A_80 = arith.cmpi slt, %rem3A, %lt3A_79 : i32
    %lt3A_81 = arith.constant 0 : i32
    %lt3A_82 = arith.cmpi slt, %select_n3A, %lt3A_81 : i32
    %ne3A_83 = arith.xori %lt3A_80, %lt3A_82 : i1
    %and3A_84 = arith.andi %ne3A_83, %ne3A_78 : i1
    %add3A_85 = arith.addi %rem3A, %select_n3A : i32
    %select_n3A_86 = arith.select %and3A_84, %add3A_85, %rem3A : i32
    %iota3A = tpu.iota {dimensions = array<i32: 0>} : vector<16xi32>
    %add3A_87 = arith.constant 0 : i32
    %add3A_88 = vector.broadcast %add3A_87 : i32 to vector<16xi32>
    %add3A_89 = arith.addi %iota3A, %add3A_88 : vector<16xi32>
    %lt3A_90 = vector.broadcast %scan3A_47#0 : i32 to vector<16xi32>
    %lt3A_91 = arith.cmpi slt, %add3A_89, %lt3A_90 : vector<16xi32>
    %get3A = arith.constant 0 : index
    %get3A_92 = tpu.vector_load %arg8[%get3A] {strides = array<i32>} : memref<192xi32, #tpu.memory_space<vmem>>, vector<16xi32>,
    %jit3A_93 = arith.constant 10000 : i32
    %broadcast_in_dim3A_94 = vector.broadcast %jit3A_93 : i32 to vector<16xi32>
    %select_n3A_95 = arith.select %lt3A_91, %get3A_92, %broadcast_in_dim3A_94 : vector<16xi1>, vector<16xi32>
    %swap3A = arith.index_cast %select_n3A_86 : i32 to index
    %swap3A_96 = arith.constant 0 : index
    %swap3A_97 = tpu.vector_load %arg10[%swap3A, %swap3A_96] {strides = array<i32>} : memref<4x128xi32, #tpu.memory_space<vmem>>, vector<16xi32>,
    tpu.vector_store %arg10[%swap3A, %swap3A_96], %select_n3A_95 {strides = array<i32>} : memref<4x128xi32, #tpu.memory_space<vmem>>, vector<16xi32>,
    %get3A_98 = arith.constant 0 : index
    %get3A_99 = tpu.vector_load %arg9[%get3A_98] {strides = array<i32>} : memref<192xi32, #tpu.memory_space<vmem>>, vector<16xi32>,
    %broadcast_in_dim3A_100 = vector.broadcast %mul3A_2 : i32 to vector<16xi32>
    %select_n3A_101 = arith.select %lt3A_91, %get3A_99, %broadcast_in_dim3A_100 : vector<16xi1>, vector<16xi32>
    %swap3A_102 = arith.index_cast %select_n3A_86 : i32 to index
    %swap3A_103 = arith.constant 0 : index
    %swap3A_104 = tpu.vector_load %arg11[%swap3A_102, %swap3A_103] {strides = array<i32>} : memref<4x128xi32, #tpu.memory_space<vmem>>, vector<16xi32>,
    tpu.vector_store %arg11[%swap3A_102, %swap3A_103], %select_n3A_101 {strides = array<i32>} : memref<4x128xi32, #tpu.memory_space<vmem>>, vector<16xi32>,
    %iota3A_105 = tpu.iota {dimensions = array<i32: 0>} : vector<16xi32>
    %add3A_106 = arith.constant 16 : i32
    %add3A_107 = vector.broadcast %add3A_106 : i32 to vector<16xi32>
    %add3A_108 = arith.addi %iota3A_105, %add3A_107 : vector<16xi32>
    %lt3A_109 = vector.broadcast %scan3A_47#0 : i32 to vector<16xi32>
    %lt3A_110 = arith.cmpi slt, %add3A_108, %lt3A_109 : vector<16xi32>
    %get3A_111 = arith.constant 16 : index
    %get3A_112 = tpu.vector_load %arg8[%get3A_111] {strides = array<i32>} : memref<192xi32, #tpu.memory_space<vmem>>, vector<16xi32>,
    %jit3A_113 = arith.constant 10000 : i32
    %broadcast_in_dim3A_114 = vector.broadcast %jit3A_113 : i32 to vector<16xi32>
    %select_n3A_115 = arith.select %lt3A_110, %get3A_112, %broadcast_in_dim3A_114 : vector<16xi1>, vector<16xi32>
    %swap3A_116 = arith.index_cast %select_n3A_86 : i32 to index
    %swap3A_117 = arith.constant 16 : index
    %swap3A_118 = tpu.vector_load %arg10[%swap3A_116, %swap3A_117] {strides = array<i32>} : memref<4x128xi32, #tpu.memory_space<vmem>>, vector<16xi32>,
    tpu.vector_store %arg10[%swap3A_116, %swap3A_117], %select_n3A_115 {strides = array<i32>} : memref<4x128xi32, #tpu.memory_space<vmem>>, vector<16xi32>,
    %get3A_119 = arith.constant 16 : index
    %get3A_120 = tpu.vector_load %arg9[%get3A_119] {strides = array<i32>} : memref<192xi32, #tpu.memory_space<vmem>>, vector<16xi32>,
    %broadcast_in_dim3A_121 = vector.broadcast %mul3A_2 : i32 to vector<16xi32>
    %select_n3A_122 = arith.select %lt3A_110, %get3A_120, %broadcast_in_dim3A_121 : vector<16xi1>, vector<16xi32>
    %swap3A_123 = arith.index_cast %select_n3A_86 : i32 to index
    %swap3A_124 = arith.constant 16 : index
    %swap3A_125 = tpu.vector_load %arg11[%swap3A_123, %swap3A_124] {strides = array<i32>} : memref<4x128xi32, #tpu.memory_space<vmem>>, vector<16xi32>,
    tpu.vector_store %arg11[%swap3A_123, %swap3A_124], %select_n3A_122 {strides = array<i32>} : memref<4x128xi32, #tpu.memory_space<vmem>>, vector<16xi32>,
    %iota3A_126 = tpu.iota {dimensions = array<i32: 0>} : vector<16xi32>
    %add3A_127 = arith.constant 32 : i32
    %add3A_128 = vector.broadcast %add3A_127 : i32 to vector<16xi32>
    %add3A_129 = arith.addi %iota3A_126, %add3A_128 : vector<16xi32>
    %lt3A_130 = vector.broadcast %scan3A_47#0 : i32 to vector<16xi32>
    %lt3A_131 = arith.cmpi slt, %add3A_129, %lt3A_130 : vector<16xi32>
    %get3A_132 = arith.constant 32 : index
    %get3A_133 = tpu.vector_load %arg8[%get3A_132] {strides = array<i32>} : memref<192xi32, #tpu.memory_space<vmem>>, vector<16xi32>,
    %jit3A_134 = arith.constant 10000 : i32
    %broadcast_in_dim3A_135 = vector.broadcast %jit3A_134 : i32 to vector<16xi32>
    %select_n3A_136 = arith.select %lt3A_131, %get3A_133, %broadcast_in_dim3A_135 : vector<16xi1>, vector<16xi32>
    %swap3A_137 = arith.index_cast %select_n3A_86 : i32 to index
    %swap3A_138 = arith.constant 32 : index
    %swap3A_139 = tpu.vector_load %arg10[%swap3A_137, %swap3A_138] {strides = array<i32>} : memref<4x128xi32, #tpu.memory_space<vmem>>, vector<16xi32>,
    tpu.vector_store %arg10[%swap3A_137, %swap3A_138], %select_n3A_136 {strides = array<i32>} : memref<4x128xi32, #tpu.memory_space<vmem>>, vector<16xi32>,
    %get3A_140 = arith.constant 32 : index
    %get3A_141 = tpu.vector_load %arg9[%get3A_140] {strides = array<i32>} : memref<192xi32, #tpu.memory_space<vmem>>, vector<16xi32>,
    %broadcast_in_dim3A_142 = vector.broadcast %mul3A_2 : i32 to vector<16xi32>
    %select_n3A_143 = arith.select %lt3A_131, %get3A_141, %broadcast_in_dim3A_142 : vector<16xi1>, vector<16xi32>
    %swap3A_144 = arith.index_cast %select_n3A_86 : i32 to index
    %swap3A_145 = arith.constant 32 : index
    %swap3A_146 = tpu.vector_load %arg11[%swap3A_144, %swap3A_145] {strides = array<i32>} : memref<4x128xi32, #tpu.memory_space<vmem>>, vector<16xi32>,
    tpu.vector_store %arg11[%swap3A_144, %swap3A_145], %select_n3A_143 {strides = array<i32>} : memref<4x128xi32, #tpu.memory_space<vmem>>, vector<16xi32>,
    %iota3A_147 = tpu.iota {dimensions = array<i32: 0>} : vector<16xi32>
    %add3A_148 = arith.constant 48 : i32
    %add3A_149 = vector.broadcast %add3A_148 : i32 to vector<16xi32>
    %add3A_150 = arith.addi %iota3A_147, %add3A_149 : vector<16xi32>
    %lt3A_151 = vector.broadcast %scan3A_47#0 : i32 to vector<16xi32>
    %lt3A_152 = arith.cmpi slt, %add3A_150, %lt3A_151 : vector<16xi32>
    %get3A_153 = arith.constant 48 : index
    %get3A_154 = tpu.vector_load %arg8[%get3A_153] {strides = array<i32>} : memref<192xi32, #tpu.memory_space<vmem>>, vector<16xi32>,
    %jit3A_155 = arith.constant 10000 : i32
    %broadcast_in_dim3A_156 = vector.broadcast %jit3A_155 : i32 to vector<16xi32>
    %select_n3A_157 = arith.select %lt3A_152, %get3A_154, %broadcast_in_dim3A_156 : vector<16xi1>, vector<16xi32>
    %swap3A_158 = arith.index_cast %select_n3A_86 : i32 to index
    %swap3A_159 = arith.constant 48 : index
    %swap3A_160 = tpu.vector_load %arg10[%swap3A_158, %swap3A_159] {strides = array<i32>} : memref<4x128xi32, #tpu.memory_space<vmem>>, vector<16xi32>,
    tpu.vector_store %arg10[%swap3A_158, %swap3A_159], %select_n3A_157 {strides = array<i32>} : memref<4x128xi32, #tpu.memory_space<vmem>>, vector<16xi32>,
    %get3A_161 = arith.constant 48 : index
    %get3A_162 = tpu.vector_load %arg9[%get3A_161] {strides = array<i32>} : memref<192xi32, #tpu.memory_space<vmem>>, vector<16xi32>,
    %broadcast_in_dim3A_163 = vector.broadcast %mul3A_2 : i32 to vector<16xi32>
    %select_n3A_164 = arith.select %lt3A_152, %get3A_162, %broadcast_in_dim3A_163 : vector<16xi1>, vector<16xi32>
    %swap3A_165 = arith.index_cast %select_n3A_86 : i32 to index
    %swap3A_166 = arith.constant 48 : index
    %swap3A_167 = tpu.vector_load %arg11[%swap3A_165, %swap3A_166] {strides = array<i32>} : memref<4x128xi32, #tpu.memory_space<vmem>>, vector<16xi32>,
    tpu.vector_store %arg11[%swap3A_165, %swap3A_166], %select_n3A_164 {strides = array<i32>} : memref<4x128xi32, #tpu.memory_space<vmem>>, vector<16xi32>,
    %iota3A_168 = tpu.iota {dimensions = array<i32: 0>} : vector<16xi32>
    %add3A_169 = arith.constant 64 : i32
    %add3A_170 = vector.broadcast %add3A_169 : i32 to vector<16xi32>
    %add3A_171 = arith.addi %iota3A_168, %add3A_170 : vector<16xi32>
    %lt3A_172 = vector.broadcast %scan3A_47#0 : i32 to vector<16xi32>
    %lt3A_173 = arith.cmpi slt, %add3A_171, %lt3A_172 : vector<16xi32>
    %get3A_174 = arith.constant 64 : index
    %get3A_175 = tpu.vector_load %arg8[%get3A_174] {strides = array<i32>} : memref<192xi32, #tpu.memory_space<vmem>>, vector<16xi32>,
    %jit3A_176 = arith.constant 10000 : i32
    %broadcast_in_dim3A_177 = vector.broadcast %jit3A_176 : i32 to vector<16xi32>
    %select_n3A_178 = arith.select %lt3A_173, %get3A_175, %broadcast_in_dim3A_177 : vector<16xi1>, vector<16xi32>
    %swap3A_179 = arith.index_cast %select_n3A_86 : i32 to index
    %swap3A_180 = arith.constant 64 : index
    %swap3A_181 = tpu.vector_load %arg10[%swap3A_179, %swap3A_180] {strides = array<i32>} : memref<4x128xi32, #tpu.memory_space<vmem>>, vector<16xi32>,
    tpu.vector_store %arg10[%swap3A_179, %swap3A_180], %select_n3A_178 {strides = array<i32>} : memref<4x128xi32, #tpu.memory_space<vmem>>, vector<16xi32>,
    %get3A_182 = arith.constant 64 : index
    %get3A_183 = tpu.vector_load %arg9[%get3A_182] {strides = array<i32>} : memref<192xi32, #tpu.memory_space<vmem>>, vector<16xi32>,
    %broadcast_in_dim3A_184 = vector.broadcast %mul3A_2 : i32 to vector<16xi32>
    %select_n3A_185 = arith.select %lt3A_173, %get3A_183, %broadcast_in_dim3A_184 : vector<16xi1>, vector<16xi32>
    %swap3A_186 = arith.index_cast %select_n3A_86 : i32 to index
    %swap3A_187 = arith.constant 64 : index
    %swap3A_188 = tpu.vector_load %arg11[%swap3A_186, %swap3A_187] {strides = array<i32>} : memref<4x128xi32, #tpu.memory_space<vmem>>, vector<16xi32>,
    tpu.vector_store %arg11[%swap3A_186, %swap3A_187], %select_n3A_185 {strides = array<i32>} : memref<4x128xi32, #tpu.memory_space<vmem>>, vector<16xi32>,
    %iota3A_189 = tpu.iota {dimensions = array<i32: 0>} : vector<16xi32>
    %add3A_190 = arith.constant 80 : i32
    %add3A_191 = vector.broadcast %add3A_190 : i32 to vector<16xi32>
    %add3A_192 = arith.addi %iota3A_189, %add3A_191 : vector<16xi32>
    %lt3A_193 = vector.broadcast %scan3A_47#0 : i32 to vector<16xi32>
    %lt3A_194 = arith.cmpi slt, %add3A_192, %lt3A_193 : vector<16xi32>
    %get3A_195 = arith.constant 80 : index
    %get3A_196 = tpu.vector_load %arg8[%get3A_195] {strides = array<i32>} : memref<192xi32, #tpu.memory_space<vmem>>, vector<16xi32>,
    %jit3A_197 = arith.constant 10000 : i32
    %broadcast_in_dim3A_198 = vector.broadcast %jit3A_197 : i32 to vector<16xi32>
    %select_n3A_199 = arith.select %lt3A_194, %get3A_196, %broadcast_in_dim3A_198 : vector<16xi1>, vector<16xi32>
    %swap3A_200 = arith.index_cast %select_n3A_86 : i32 to index
    %swap3A_201 = arith.constant 80 : index
    %swap3A_202 = tpu.vector_load %arg10[%swap3A_200, %swap3A_201] {strides = array<i32>} : memref<4x128xi32, #tpu.memory_space<vmem>>, vector<16xi32>,
    tpu.vector_store %arg10[%swap3A_200, %swap3A_201], %select_n3A_199 {strides = array<i32>} : memref<4x128xi32, #tpu.memory_space<vmem>>, vector<16xi32>,
    %get3A_203 = arith.constant 80 : index
    %get3A_204 = tpu.vector_load %arg9[%get3A_203] {strides = array<i32>} : memref<192xi32, #tpu.memory_space<vmem>>, vector<16xi32>,
    %broadcast_in_dim3A_205 = vector.broadcast %mul3A_2 : i32 to vector<16xi32>
    %select_n3A_206 = arith.select %lt3A_194, %get3A_204, %broadcast_in_dim3A_205 : vector<16xi1>, vector<16xi32>
    %swap3A_207 = arith.index_cast %select_n3A_86 : i32 to index
    %swap3A_208 = arith.constant 80 : index
    %swap3A_209 = tpu.vector_load %arg11[%swap3A_207, %swap3A_208] {strides = array<i32>} : memref<4x128xi32, #tpu.memory_space<vmem>>, vector<16xi32>,
    tpu.vector_store %arg11[%swap3A_207, %swap3A_208], %select_n3A_206 {strides = array<i32>} : memref<4x128xi32, #tpu.memory_space<vmem>>, vector<16xi32>,
    %iota3A_210 = tpu.iota {dimensions = array<i32: 0>} : vector<16xi32>
    %add3A_211 = arith.constant 96 : i32
    %add3A_212 = vector.broadcast %add3A_211 : i32 to vector<16xi32>
    %add3A_213 = arith.addi %iota3A_210, %add3A_212 : vector<16xi32>
    %lt3A_214 = vector.broadcast %scan3A_47#0 : i32 to vector<16xi32>
    %lt3A_215 = arith.cmpi slt, %add3A_213, %lt3A_214 : vector<16xi32>
    %get3A_216 = arith.constant 96 : index
    %get3A_217 = tpu.vector_load %arg8[%get3A_216] {strides = array<i32>} : memref<192xi32, #tpu.memory_space<vmem>>, vector<16xi32>,
    %jit3A_218 = arith.constant 10000 : i32
    %broadcast_in_dim3A_219 = vector.broadcast %jit3A_218 : i32 to vector<16xi32>
    %select_n3A_220 = arith.select %lt3A_215, %get3A_217, %broadcast_in_dim3A_219 : vector<16xi1>, vector<16xi32>
    %swap3A_221 = arith.index_cast %select_n3A_86 : i32 to index
    %swap3A_222 = arith.constant 96 : index
    %swap3A_223 = tpu.vector_load %arg10[%swap3A_221, %swap3A_222] {strides = array<i32>} : memref<4x128xi32, #tpu.memory_space<vmem>>, vector<16xi32>,
    tpu.vector_store %arg10[%swap3A_221, %swap3A_222], %select_n3A_220 {strides = array<i32>} : memref<4x128xi32, #tpu.memory_space<vmem>>, vector<16xi32>,
    %get3A_224 = arith.constant 96 : index
    %get3A_225 = tpu.vector_load %arg9[%get3A_224] {strides = array<i32>} : memref<192xi32, #tpu.memory_space<vmem>>, vector<16xi32>,
    %broadcast_in_dim3A_226 = vector.broadcast %mul3A_2 : i32 to vector<16xi32>
    %select_n3A_227 = arith.select %lt3A_215, %get3A_225, %broadcast_in_dim3A_226 : vector<16xi1>, vector<16xi32>
    %swap3A_228 = arith.index_cast %select_n3A_86 : i32 to index
    %swap3A_229 = arith.constant 96 : index
    %swap3A_230 = tpu.vector_load %arg11[%swap3A_228, %swap3A_229] {strides = array<i32>} : memref<4x128xi32, #tpu.memory_space<vmem>>, vector<16xi32>,
    tpu.vector_store %arg11[%swap3A_228, %swap3A_229], %select_n3A_227 {strides = array<i32>} : memref<4x128xi32, #tpu.memory_space<vmem>>, vector<16xi32>,
    %iota3A_231 = tpu.iota {dimensions = array<i32: 0>} : vector<16xi32>
    %add3A_232 = arith.constant 112 : i32
    %add3A_233 = vector.broadcast %add3A_232 : i32 to vector<16xi32>
    %add3A_234 = arith.addi %iota3A_231, %add3A_233 : vector<16xi32>
    %lt3A_235 = vector.broadcast %scan3A_47#0 : i32 to vector<16xi32>
    %lt3A_236 = arith.cmpi slt, %add3A_234, %lt3A_235 : vector<16xi32>
    %get3A_237 = arith.constant 112 : index
    %get3A_238 = tpu.vector_load %arg8[%get3A_237] {strides = array<i32>} : memref<192xi32, #tpu.memory_space<vmem>>, vector<16xi32>,
    %jit3A_239 = arith.constant 10000 : i32
    %broadcast_in_dim3A_240 = vector.broadcast %jit3A_239 : i32 to vector<16xi32>
    %select_n3A_241 = arith.select %lt3A_236, %get3A_238, %broadcast_in_dim3A_240 : vector<16xi1>, vector<16xi32>
    %swap3A_242 = arith.index_cast %select_n3A_86 : i32 to index
    %swap3A_243 = arith.constant 112 : index
    %swap3A_244 = tpu.vector_load %arg10[%swap3A_242, %swap3A_243] {strides = array<i32>} : memref<4x128xi32, #tpu.memory_space<vmem>>, vector<16xi32>,
    tpu.vector_store %arg10[%swap3A_242, %swap3A_243], %select_n3A_241 {strides = array<i32>} : memref<4x128xi32, #tpu.memory_space<vmem>>, vector<16xi32>,
    %get3A_245 = arith.constant 112 : index
    %get3A_246 = tpu.vector_load %arg9[%get3A_245] {strides = array<i32>} : memref<192xi32, #tpu.memory_space<vmem>>, vector<16xi32>,
    %broadcast_in_dim3A_247 = vector.broadcast %mul3A_2 : i32 to vector<16xi32>
    %select_n3A_248 = arith.select %lt3A_236, %get3A_246, %broadcast_in_dim3A_247 : vector<16xi1>, vector<16xi32>
    %swap3A_249 = arith.index_cast %select_n3A_86 : i32 to index
    %swap3A_250 = arith.constant 112 : index
    %swap3A_251 = tpu.vector_load %arg11[%swap3A_249, %swap3A_250] {strides = array<i32>} : memref<4x128xi32, #tpu.memory_space<vmem>>, vector<16xi32>,
    tpu.vector_store %arg11[%swap3A_249, %swap3A_250], %select_n3A_248 {strides = array<i32>} : memref<4x128xi32, #tpu.memory_space<vmem>>, vector<16xi32>,
    %dma_start3A_252 = arith.constant 0 : i32
    %dma_start3A_253 = arith.constant 0 : i32
    %dma_start3A_254 = tpu.memref_slice %arg12[%select_n3A_86, %dma_start3A_252, %dma_start3A_253] : memref<4x128x128xf32, #tpu.memory_space<vmem>> -> memref<1x128x128xf32, #tpu.memory_space<vmem>>
    %dma_start3A_255 = tpu.memref_squeeze %dma_start3A_254 : memref<1x128x128xf32, #tpu.memory_space<vmem>> -> memref<128x128xf32, #tpu.memory_space<vmem>>
    %dma_start3A_256 = arith.constant 0 : i32
    %dma_start3A_257 = tpu.memref_slice %arg10[%select_n3A_86, %dma_start3A_256] : memref<4x128xi32, #tpu.memory_space<vmem>> -> memref<1x128xi32, #tpu.memory_space<vmem>>
    %dma_start3A_258 = tpu.memref_squeeze %dma_start3A_257 : memref<1x128xi32, #tpu.memory_space<vmem>> -> memref<128xi32, #tpu.memory_space<vmem>>
    %dma_start3A_259 = arith.constant 0 : i32
    %dma_start3A_260 = arith.constant 0 : i32
    %dma_start3A_261 = tpu.memref_slice %arg2[%dma_start3A_259, %dma_start3A_260] : memref<10240x128xf32, #tpu.memory_space<hbm>> -> memref<10240x128xf32, #tpu.memory_space<hbm>>
    tpu.enqueue_indirect_dma source(%dma_start3A_261 : memref<10240x128xf32, #tpu.memory_space<hbm>>) target(%dma_start3A_255 : memref<128x128xf32, #tpu.memory_space<vmem>>) offsets(%dma_start3A_258 : memref<128xi32, #tpu.memory_space<vmem>>) semaphore(%arg15 : memref<!tpu.dma_semaphore, #tpu.memory_space<semaphore_mem>>)
    %dma_wait3A = arith.constant 0 : i32
    %dma_wait3A_262 = arith.constant 0 : i32
    %dma_wait3A_263 = tpu.memref_slice %arg12[%select_n3A_86, %dma_wait3A, %dma_wait3A_262] : memref<4x128x128xf32, #tpu.memory_space<vmem>> -> memref<1x128x128xf32, #tpu.memory_space<vmem>>
    %dma_wait3A_264 = tpu.memref_squeeze %dma_wait3A_263 : memref<1x128x128xf32, #tpu.memory_space<vmem>> -> memref<128x128xf32, #tpu.memory_space<vmem>>
    %dma_wait3A_265 = arith.constant 0 : i32
    %dma_wait3A_266 = arith.constant 0 : i32
    %dma_wait3A_267 = tpu.memref_slice %arg2[%dma_wait3A_265, %dma_wait3A_266] : memref<10240x128xf32, #tpu.memory_space<hbm>> -> memref<128x128xf32, #tpu.memory_space<hbm>>
    %dma_wait3A_268 = arith.constant 0 : i32
    %dma_wait3A_269 = arith.constant 0 : i32
    %dma_wait3A_270 = tpu.memref_slice %arg12[%select_n3A_86, %dma_wait3A_268, %dma_wait3A_269] : memref<4x128x128xf32, #tpu.memory_space<vmem>> -> memref<1x128x128xf32, #tpu.memory_space<vmem>>
    %dma_wait3A_271 = tpu.memref_squeeze %dma_wait3A_270 : memref<1x128x128xf32, #tpu.memory_space<vmem>> -> memref<128x128xf32, #tpu.memory_space<vmem>>
    %dma_wait3A_272 = arith.constant 0 : i32
    %dma_wait3A_273 = arith.constant 0 : i32
    %dma_wait3A_274 = tpu.memref_slice %arg2[%dma_wait3A_272, %dma_wait3A_273] : memref<10240x128xf32, #tpu.memory_space<hbm>> -> memref<128x128xf32, #tpu.memory_space<hbm>>
    tpu.wait_dma2 semaphore(%arg15 : memref<!tpu.dma_semaphore, #tpu.memory_space<semaphore_mem>>) src(%dma_wait3A_274 : memref<128x128xf32, #tpu.memory_space<hbm>>) dst(%dma_wait3A_271 : memref<128x128xf32, #tpu.memory_space<vmem>>)
    "tpu.region"() ({
      %run_scoped3A = tpu.sem_alloc : memref<!tpu.dma_semaphore, #tpu.memory_space<semaphore_mem>>
      %dma_start3A_275 = arith.constant 0 : i32
      %dma_start3A_276 = arith.constant 0 : i32
      %dma_start3A_277 = tpu.memref_slice %arg12[%select_n3A_86, %dma_start3A_275, %dma_start3A_276] : memref<4x128x128xf32, #tpu.memory_space<vmem>> -> memref<1x128x128xf32, #tpu.memory_space<vmem>>
      %dma_start3A_278 = tpu.memref_squeeze %dma_start3A_277 : memref<1x128x128xf32, #tpu.memory_space<vmem>> -> memref<128x128xf32, #tpu.memory_space<vmem>>
      %dma_start3A_279 = arith.constant 0 : i32
      %dma_start3A_280 = tpu.memref_slice %arg11[%select_n3A_86, %dma_start3A_279] : memref<4x128xi32, #tpu.memory_space<vmem>> -> memref<1x128xi32, #tpu.memory_space<vmem>>
      %dma_start3A_281 = tpu.memref_squeeze %dma_start3A_280 : memref<1x128xi32, #tpu.memory_space<vmem>> -> memref<128xi32, #tpu.memory_space<vmem>>
      %dma_start3A_282 = arith.constant 0 : i32
      %dma_start3A_283 = arith.constant 0 : i32
      %dma_start3A_284 = tpu.memref_slice %arg14[%dma_start3A_282, %dma_start3A_283] : memref<5120x128xf32, #tpu.memory_space<vmem_shared>> -> memref<5120x128xf32, #tpu.memory_space<vmem_shared>>
      tpu.enqueue_indirect_dma source(%dma_start3A_278 : memref<128x128xf32, #tpu.memory_space<vmem>>) target(%dma_start3A_284 : memref<5120x128xf32, #tpu.memory_space<vmem_shared>>) offsets(%dma_start3A_281 : memref<128xi32, #tpu.memory_space<vmem>>) semaphore(%run_scoped3A : memref<!tpu.dma_semaphore, #tpu.memory_space<semaphore_mem>>) {add = true}
      %dma_wait3A_285 = arith.constant 0 : i32
      %dma_wait3A_286 = arith.constant 0 : i32
      %dma_wait3A_287 = tpu.memref_slice %arg12[%select_n3A_86, %dma_wait3A_285, %dma_wait3A_286] : memref<4x128x128xf32, #tpu.memory_space<vmem>> -> memref<1x128x128xf32, #tpu.memory_space<vmem>>
      %dma_wait3A_288 = tpu.memref_squeeze %dma_wait3A_287 : memref<1x128x128xf32, #tpu.memory_space<vmem>> -> memref<128x128xf32, #tpu.memory_space<vmem>>
      %dma_wait3A_289 = arith.constant 0 : i32
      %dma_wait3A_290 = tpu.memref_slice %arg11[%select_n3A_86, %dma_wait3A_289] : memref<4x128xi32, #tpu.memory_space<vmem>> -> memref<1x128xi32, #tpu.memory_space<vmem>>
      %dma_wait3A_291 = tpu.memref_squeeze %dma_wait3A_290 : memref<1x128xi32, #tpu.memory_space<vmem>> -> memref<128xi32, #tpu.memory_space<vmem>>
      %dma_wait3A_292 = arith.constant 0 : i32
      %dma_wait3A_293 = arith.constant 0 : i32
      %dma_wait3A_294 = tpu.memref_slice %arg14[%dma_wait3A_292, %dma_wait3A_293] : memref<5120x128xf32, #tpu.memory_space<vmem_shared>> -> memref<5120x128xf32, #tpu.memory_space<vmem_shared>>
      tpu.wait_indirect_dma semaphore(%run_scoped3A : memref<!tpu.dma_semaphore, #tpu.memory_space<semaphore_mem>>) src(%dma_wait3A_288 : memref<128x128xf32, #tpu.memory_space<vmem>>) dst(%dma_wait3A_294 : memref<5120x128xf32, #tpu.memory_space<vmem_shared>>)
      tpu.yield
    }) : () -> ()
    "tpu.region"() ({
      %run_scoped3A = tpu.sem_alloc : memref<!tpu.dma_semaphore, #tpu.memory_space<semaphore_mem>>
      %dma_start3A_275 = arith.constant 0 : i32
      %dma_start3A_276 = tpu.memref_slice %arg5[%add3A, %dma_start3A_275] : memref<10240x128xf32, #tpu.memory_space<hbm>> -> memref<320x128xf32, #tpu.memory_space<hbm>>
      %dma_start3A_277 = arith.constant 0 : i32
      %dma_start3A_278 = tpu.memref_slice %arg14[%mul3A_2, %dma_start3A_277] : memref<5120x128xf32, #tpu.memory_space<vmem_shared>> -> memref<320x128xf32, #tpu.memory_space<vmem_shared>>
      tpu.enqueue_dma source(%dma_start3A_278 : memref<320x128xf32, #tpu.memory_space<vmem_shared>>) target(%dma_start3A_276 : memref<320x128xf32, #tpu.memory_space<hbm>>) target_semaphore(%run_scoped3A : memref<!tpu.dma_semaphore, #tpu.memory_space<semaphore_mem>>)
      %dma_wait3A_279 = arith.constant 0 : i32
      %dma_wait3A_280 = tpu.memref_slice %arg5[%add3A, %dma_wait3A_279] : memref<10240x128xf32, #tpu.memory_space<hbm>> -> memref<320x128xf32, #tpu.memory_space<hbm>>
      %dma_wait3A_281 = arith.constant 0 : i32
      %dma_wait3A_282 = tpu.memref_slice %arg14[%mul3A_2, %dma_wait3A_281] : memref<5120x128xf32, #tpu.memory_space<vmem_shared>> -> memref<320x128xf32, #tpu.memory_space<vmem_shared>>
      tpu.wait_dma2 semaphore(%run_scoped3A : memref<!tpu.dma_semaphore, #tpu.memory_space<semaphore_mem>>) src(%dma_wait3A_282 : memref<320x128xf32, #tpu.memory_space<vmem_shared>>) dst(%dma_wait3A_280 : memref<320x128xf32, #tpu.memory_space<hbm>>)
      tpu.yield
    }) : () -> ()
    return
  }
}

module attributes {stable_mosaic.version = 14 : i64} {
  func.func @_mm_body(%arg0: i32, %arg1: memref<1280x128xf32, #tpu.memory_space<vmem>>, %arg2: memref<128x128xf32, #tpu.memory_space<vmem>>, %arg3: memref<1280x1xf32, #tpu.memory_space<vmem>>, %arg4: memref<1280x128xf32, #tpu.memory_space<vmem>>) attributes {dimension_semantics = [#tpu.dimension_semantics<arbitrary>], iteration_bounds = array<i64: 8>, scalar_prefetch = 0 : i64, scratch_operands = 0 : i64, tpu.core_type = #tpu.core_type<tc>, window_params = [{transform_indices = @transform_0, window_bounds = array<i64: 1280, 128>}, {pipeline_mode = #tpu.pipeline_mode<synchronous>, transform_indices = @transform_1, window_bounds = array<i64: 128, 128>}, {transform_indices = @transform_2, window_bounds = array<i64: 1280, 1>}, {transform_indices = @transform_3, window_bounds = array<i64: 1280, 128>}]} {
    %get3A = arith.constant 0 : index
    %get3A_0 = arith.constant 0 : index
    %get3A_1 = vector.load %arg1[%get3A, %get3A_0] : memref<1280x128xf32, #tpu.memory_space<vmem>>, vector<1280x128xf32>
    %get3A_2 = arith.constant 0 : index
    %get3A_3 = arith.constant 0 : index
    %get3A_4 = vector.load %arg2[%get3A_2, %get3A_3] : memref<128x128xf32, #tpu.memory_space<vmem>>, vector<128x128xf32>
    %dot_general3A = arith.constant dense<0.000000e+00> : vector<1280x128xf32>
    %dot_general3A_5 = tpu.matmul %get3A_1, %get3A_4, %dot_general3A {dimension_numbers = #tpu.dot_dimension_numbers<[1], [0], [0], [1], [0, 0, 1, 1], [], []>, transpose_lhs_hint = false} : vector<1280x128xf32>, vector<128x128xf32>, vector<1280x128xf32> -> vector<1280x128xf32>
    %get3A_6 = arith.constant 0 : index
    %get3A_7 = arith.constant 0 : index
    %get3A_8 = vector.load %arg3[%get3A_6, %get3A_7] : memref<1280x1xf32, #tpu.memory_space<vmem>>, vector<1280x1xf32>
    %mul3A = vector.broadcast %get3A_8 : vector<1280x1xf32> to vector<1280x128xf32>
    %mul3A_9 = arith.mulf %dot_general3A_5, %mul3A : vector<1280x128xf32>
    %swap3A = arith.constant 0 : index
    %swap3A_10 = arith.constant 0 : index
    %swap3A_11 = vector.load %arg4[%swap3A, %swap3A_10] : memref<1280x128xf32, #tpu.memory_space<vmem>>, vector<1280x128xf32>
    tpu.vector_store %arg4[%swap3A, %swap3A_10], %mul3A_9 {strides = array<i32>} : memref<1280x128xf32, #tpu.memory_space<vmem>>, vector<1280x128xf32>,
    return
  }
  func.func @transform_0(%arg0: i32) -> (i32, i32) {
    %c0_i32 = arith.constant 0 : i32
    %c0_i32_0 = arith.constant 0 : i32
    return %arg0, %c0_i32 : i32, i32
  }
  func.func @transform_1(%arg0: i32) -> (i32, i32) {
    %c0_i32 = arith.constant 0 : i32
    %c0_i32_0 = arith.constant 0 : i32
    %c0_i32_1 = arith.constant 0 : i32
    return %c0_i32, %c0_i32_0 : i32, i32
  }
  func.func @transform_2(%arg0: i32) -> (i32, i32) {
    %c0_i32 = arith.constant 0 : i32
    %c0_i32_0 = arith.constant 0 : i32
    return %arg0, %c0_i32 : i32, i32
  }
  func.func @transform_3(%arg0: i32) -> (i32, i32) {
    %c0_i32 = arith.constant 0 : i32
    %c0_i32_0 = arith.constant 0 : i32
    return %arg0, %c0_i32 : i32, i32
  }
}

module attributes {stable_mosaic.version = 14 : i64} {
  func.func @_comb_body(%arg0: i32, %arg1: memref<1000x128xf32, #tpu.memory_space<vmem>>, %arg2: memref<1000x1xf32, #tpu.memory_space<vmem>>, %arg3: memref<1x128xf32, #tpu.memory_space<vmem>>, %arg4: memref<1000x128xf32, #tpu.memory_space<vmem>>) attributes {dimension_semantics = [#tpu.dimension_semantics<arbitrary>], iteration_bounds = array<i64: 10>, scalar_prefetch = 0 : i64, scratch_operands = 0 : i64, tpu.core_type = #tpu.core_type<tc>, window_params = [{transform_indices = @transform_0, window_bounds = array<i64: 1000, 128>}, {transform_indices = @transform_1, window_bounds = array<i64: 1000, 1>}, {pipeline_mode = #tpu.pipeline_mode<synchronous>, transform_indices = @transform_2, window_bounds = array<i64: 1, 128>}, {transform_indices = @transform_3, window_bounds = array<i64: 1000, 128>}]} {
    %get3A = arith.constant 0 : index
    %get3A_0 = arith.constant 0 : index
    %get3A_1 = vector.load %arg1[%get3A, %get3A_0] : memref<1000x128xf32, #tpu.memory_space<vmem>>, vector<1000x128xf32>
    %get3A_2 = arith.constant 0 : index
    %get3A_3 = arith.constant 0 : index
    %get3A_4 = vector.load %arg2[%get3A_2, %get3A_3] : memref<1000x1xf32, #tpu.memory_space<vmem>>, vector<1000x1xf32>
    %mul3A = vector.broadcast %get3A_4 : vector<1000x1xf32> to vector<1000x128xf32>
    %mul3A_5 = arith.mulf %get3A_1, %mul3A : vector<1000x128xf32>
    %get3A_6 = arith.constant 0 : index
    %get3A_7 = arith.constant 0 : index
    %get3A_8 = vector.load %arg3[%get3A_6, %get3A_7] : memref<1x128xf32, #tpu.memory_space<vmem>>, vector<1x128xf32>
    %add3A = vector.broadcast %get3A_8 : vector<1x128xf32> to vector<1000x128xf32>
    %add3A_9 = arith.addf %mul3A_5, %add3A : vector<1000x128xf32>
    %swap3A = arith.constant 0 : index
    %swap3A_10 = arith.constant 0 : index
    %swap3A_11 = vector.load %arg4[%swap3A, %swap3A_10] : memref<1000x128xf32, #tpu.memory_space<vmem>>, vector<1000x128xf32>
    tpu.vector_store %arg4[%swap3A, %swap3A_10], %add3A_9 {strides = array<i32>} : memref<1000x128xf32, #tpu.memory_space<vmem>>, vector<1000x128xf32>,
    return
  }
  func.func @transform_0(%arg0: i32) -> (i32, i32) {
    %c0_i32 = arith.constant 0 : i32
    %c0_i32_0 = arith.constant 0 : i32
    return %arg0, %c0_i32 : i32, i32
  }
  func.func @transform_1(%arg0: i32) -> (i32, i32) {
    %c0_i32 = arith.constant 0 : i32
    %c0_i32_0 = arith.constant 0 : i32
    return %arg0, %c0_i32 : i32, i32
  }
  func.func @transform_2(%arg0: i32) -> (i32, i32) {
    %c0_i32 = arith.constant 0 : i32
    %c0_i32_0 = arith.constant 0 : i32
    %c0_i32_1 = arith.constant 0 : i32
    return %c0_i32, %c0_i32_0 : i32, i32
  }
  func.func @transform_3(%arg0: i32) -> (i32, i32) {
    %c0_i32 = arith.constant 0 : i32
    %c0_i32_0 = arith.constant 0 : i32
    return %arg0, %c0_i32 : i32, i32
  }
}

</mosaic_0001>

<sc_bundles>
// kernel: kernel.5.cloned.1.call-start
scs
__scs_entry_jumppad:
0x0: {  	(pc) =	sbr.rel $0x88, $3  }
0x1: {  	(tag) =	ssettag $0x0;
	lr =	simm.s32 $0x1  }
0x2: {  	[smem:$0x3F9C] =	sst lr;
	_ =	strace $0xD0000000  }
0x3: {  	_ = 	snop  }
0x4: {  	_ = 	snop  }
0x5: {  	_ = 	snop  }
0x6: {  	_ = 	snop  }
0x7: {  	_ = 	snop  }
__scs_overlays_trampoline_lowered:
0x8: {  	[smem:$0x3FAB] =	sst s0  }
0x9: {  	[smem:$0x3FAC] =	sst s1  }
0xa: {  	[smem:$0x3FAD] =	sst s2  }
0xb: {  	[smem:$0x3FAE] =	sst s3  }
0xc: {  	[smem:$0x3FAF] =	sst s4  }
0xd: {  	[smem:$0x3FB0] =	sst s5  }
0xe: {  	[smem:$0x3FB1] =	sst s6  }
0xf: {  	[smem:$0x3FB2] =	sst s7  }
0x10: {  	[smem:$0x3FB3] =	sst s8  }
0x11: {  	[smem:$0x3FB4] =	sst s9;
	s0 =	simm.s32 @!p0 $0x0  }
0x12: {  	s1 =	sld [smem:$0x3F9A];
	s0 =	simm.s32 @p0 $0x1  }
0x13: {  	[smem:$0x3FB5] =	sst s0;
	s0 =	simm.s32 @!p1 $0x0  }
0x14: {  	s2 =	sld [smem:$0x3F99];
	s0 =	simm.s32 @p1 $0x1  }
0x15: {  	[smem:$0x3FB6] =	sst s0;
	s0 =	simm.s32 @!p2 $0x0  }
0x16: {  	s3 =	sld [smem:$0x3FDB];
	s0 =	simm.s32 @p2 $0x1  }
0x17: {  	s4 =	simm.s32 $0x1BF5;
	[smem:$0x3FB8] =	sst s0  }
0x18: {  	s0 =	sld [smem:$0x3F9B];
	_ =	swait.ge [sflag:s4], $0x0  }
0x19: {  	s7 =	sld [smem:$0x3F9C]  }
0x1a: {  	s8 =	sadd.s32 $0xFFFFE003, lr  }
0x1b: {  	s9 =	sadd.s32 $0xFFFFFEF7, lr;
	s5 =	simm.s32 $0xFFFFFFFF;
	p2 =	slt.u32 s8, $0xFFFFF086  }
0x1c: {  	p1 =	slt.u32 s9, $0xF7A;
	s5 =	simm.s32 @!p2 $0x0  }
0x1d: {  	s5 =	simm.s32 @p1 $0x1;
	p0 =	seq.s32 s7, s2  }
0x1e: {  	s7 =	smul.u32 @!p0 $0xF7A, s2;
	p2 =	seq.s32 @!p0 s5, $0x0  }
0x1f: {  	s9 =	smul.u32 $0xF7A, s1;
	s8 =	simm.s32 @!p0 $0x1BF5;
	p2 =	por !p2, p0  }
0x20: {  	[sflag:s8] =	ssyncset.s32 @!p0 $0xFFFFF086;
	s6 =	sadd.s32 @!p0 s3, s7;
	s7 =	simm.s32 @!p0 $0x108  }
0x21: {  	s3 =	sadd.s32 s3, s9;
	s6 =	sadd.s32 @!p0 $0x88, s6;
	s7 =	simm.s32 @p2 $0x1082  }
0x22: {  	[simem:s7], [sflag:s8] =	dma.local @!p0 [hbm:s6], $0xF7A  }
0x23: {  	s9 =	sor.u32 $0xD0000000, s2;
	s6 =	simm.s32 $0x108;
	_ =	swait.ge @!p0 [sflag:s8], $0x0  }
0x24: {  	s3 =	sadd.s32 $0x88, s3;
	s6 =	simm.s32 @!p1 $0x1082;
	[sflag:s4] =	ssyncset.s32 $0xFFFFF086  }
0x25: {  	[simem:s6], [sflag:s4] =	dma.local [hbm:s3], $0xF7A  }
0x26: {  	[smem:$0x3F9C] =	sst s1;
	(tag) =	ssettag s2;
	_ =	strace s9  }
0x27: {  	s1 =	sld [smem:$0x3FAC]  }
0x28: {  	s2 =	sld [smem:$0x3FAD]  }
0x29: {  	s4 =	sld [smem:$0x3FAF]  }
0x2a: {  	p0 =	seq.s32 s5, $0x0;
	s5 =	sld [smem:$0x3FB0]  }
0x2b: {  	s6 =	sld [smem:$0x3FB1]  }
0x2c: {  	s7 =	sld [smem:$0x3FB2]  }
0x2d: {  	s3 =	simm.s32 $0x108;
	s8 =	sld [smem:$0x3FB3]  }
0x2e: {  	s3 =	simm.s32 @!p0 $0x1082;
	s9 =	sld [smem:$0x3FB4]  }
0x2f: {  	lr =	sadd.s32 s0, s3;
	s0 =	sld [smem:$0x3FAB]  }
0x30: {  	s3 =	sld [smem:$0x3FAE]  }
0x31: {  	[smem:$0x3FB7] =	sst s10  }
0x32: {  	s10 =	sld [smem:$0x3FB5];
	_ =	sdelay $0x3  }
0x33: {  	p0 =	seq.s32 s10, $0x1;
	s10 =	sld [smem:$0x3FB7];
	_ =	sdelay $0x3  }
0x34: {  	[smem:$0x3FB7] =	sst s10  }
0x35: {  	s10 =	sld [smem:$0x3FB6];
	_ =	sdelay $0x3  }
0x36: {  	p1 =	seq.s32 s10, $0x1;
	s10 =	sld [smem:$0x3FB7];
	_ =	sdelay $0x3  }
0x37: {  	[smem:$0x3FB7] =	sst s10  }
0x38: {  	s10 =	sld [smem:$0x3FB8]  }
0x39: {  	_ = 	snop;
	(pc) =	sbr.ind lr, $3  }
0x3a: {  	_ = 	snop  }
0x3b: {  	_ = 	snop  }
0x3c: {  	p2 =	seq.s32 s10, $0x1;
	s10 =	sld [smem:$0x3FB7]  }
0x3d: {  	_ =	shalt  }
0x3e: {  	_ =	shalt  }
0x3f: {  	_ =	shalt  }
0x40: {  	_ =	shalt  }
0x41: {  	_ =	shalt  }
0x42: {  	_ =	shalt  }
0x43: {  	_ =	shalt  }
0x44: {  	_ =	shalt  }
0x45: {  	_ =	shalt  }
0x46: {  	_ =	shalt  }
0x47: {  	_ =	shalt  }
0x48: {  	_ =	shalt  }
0x49: {  	_ =	shalt  }
0x4a: {  	_ =	shalt  }
0x4b: {  	_ =	shalt  }
0x4c: {  	_ =	shalt  }
0x4d: {  	_ =	shalt  }
0x4e: {  	_ =	shalt  }
0x4f: {  	_ =	shalt  }
0x50: {  	_ =	shalt  }
0x51: {  	_ =	shalt  }
0x52: {  	_ =	shalt  }
0x53: {  	_ =	shalt  }
0x54: {  	_ =	shalt  }
0x55: {  	_ =	shalt  }
0x56: {  	_ =	shalt  }
0x57: {  	_ =	shalt  }
0x58: {  	_ =	shalt  }
0x59: {  	_ =	shalt  }
0x5a: {  	_ =	shalt  }
0x5b: {  	_ =	shalt  }
0x5c: {  	_ =	shalt  }
0x5d: {  	_ =	shalt  }
0x5e: {  	_ =	shalt  }
0x5f: {  	_ =	shalt  }
0x60: {  	_ =	shalt  }
0x61: {  	_ =	shalt  }
0x62: {  	_ =	shalt  }
0x63: {  	_ =	shalt  }
0x64: {  	_ =	shalt  }
0x65: {  	_ =	shalt  }
0x66: {  	_ =	shalt  }
0x67: {  	_ =	shalt  }
0x68: {  	_ =	shalt  }
0x69: {  	_ =	shalt  }
0x6a: {  	_ =	shalt  }
0x6b: {  	_ =	shalt  }
0x6c: {  	_ =	shalt  }
0x6d: {  	_ =	shalt  }
0x6e: {  	_ =	shalt  }
0x6f: {  	_ =	shalt  }
0x70: {  	_ =	shalt  }
0x71: {  	_ =	shalt  }
0x72: {  	_ =	shalt  }
0x73: {  	_ =	shalt  }
0x74: {  	_ =	shalt  }
0x75: {  	_ =	shalt  }
0x76: {  	_ =	shalt  }
0x77: {  	_ =	shalt  }
0x78: {  	_ =	shalt  }
0x79: {  	_ =	shalt  }
0x7a: {  	_ =	shalt  }
0x7b: {  	_ =	shalt  }
0x7c: {  	_ =	shalt  }
0x7d: {  	_ =	shalt  }
0x7e: {  	_ =	shalt  }
0x7f: {  	_ =	shalt  }
0x80: {  	_ =	shalt  }
0x81: {  	_ =	shalt  }
0x82: {  	_ =	shalt  }
0x83: {  	_ =	shalt  }
0x84: {  	_ =	shalt  }
0x85: {  	_ =	shalt  }
0x86: {  	_ =	shalt  }
0x87: {  	_ =	shalt  }
.Lfunc_end0:
.L_simem_size_0:
called_computation_lowered:
.L_overlay_start_0:
0x88: {  	s2 =	sld [smem:$0x3FD9]  }
0x89: {  	s3 =	sld [smem:$0x3FFE];
	_ =	sdelay $0x1  }
0x8a: {  	s1 =	srdreg.scid  }
0x8b: {  	s0 =	sand.u32 $0x1, s1  }
0x8c: {  	s17 =	sshll.u32 s0, $0xA;
	s2 =	sadd.s32 s3, s2  }
0x8d: {  	s2 =	sadd.s32 s2, s17  }
0x8e: {  	[smem:$0x3FC3] =	sst s2  }
0x8f: {  	_ = 	snop  }
0x90: {  	s2 =	sld [smem:$0x3FD0];
	(tm) =	ssettm $0x1  }
0x91: {  	s18 =	sld [smem:$0x3FFB];
	_ =	sdelay $0x3  }
0x92: {  	_ =	strace s18  }
0x93: {  	s3 =	sld [smem:$0x3FFC];
	_ =	sdelay $0x3  }
0x94: {  	_ =	strace s3  }
0x95: {  	s3 =	sld [smem:$0x3FFD];
	_ =	sdelay $0x3  }
0x96: {  	_ =	strace s3  }
0x97: {  	_ =	strace $0x8FFFFFFF  }
0x98: {  	s19 =	sld [smem:$0x3FDB];
	_ =	sdelay $0x1  }
0x99: {  	s4 =	simm.s32 $_scs_section_size  }
0x9a: {  	s5 =	simm.s32 $_size__tile_overlayer_lowered;
	s6 =	simm.s32 $_tile_overlayer_lowered  }
0x9b: {  	s22 =	simm.s32 $0x1BFF;
	s21 =	sshll.u32 s6, $0x1;
	s3 =	sadd.s32 s4, s19  }
0x9c: {  	s7 =	simm.s32 $0x0;
	s20 =	sshll.u32 s5, $0x1;
	s5 =	sadd.s32 s21, s3  }
0x9d: {  	[timem:s7], [sflag:s22] =	dma.local [hbm:s5], s20  }
0x9e: {  	_ =	swait.ge [sflag:s22], s20  }
0x9f: {  	s4 =	ssub.s32 $0x0, s20;
	[sflag:s22] =	ssyncset.done $0x0  }
0xa0: {  	[sflag:s22] =	ssyncadd.s32 s4;
	_ =	sdelay $0x1  }
0xa1: {  	s23 =	simm.s32 $0x1B8B  }
0xa2: {  	_ =	swait.ge [sflag:s23], $0x1  }
0xa3: {  	[sflag:s23] =	ssyncset.done $0x0  }
0xa4: {  	s25 =	simm.s32 $0x1B8E;
	s24 =	sld [smem:$0x3FFE];
	[sflag:s23] =	ssyncadd.s32 $0xFFFFFFFF  }
0xa5: {  	s26 =	simm.s32 $execute0_lowered;
	[smem:$0x3FD2] =	sst s25  }
0xa6: {  	s5 =	sshll.u32 s26, $0x1;
	_ =	strace $0x80000046;
	[dreg:$0x1] =	wrdreg $0xFFFFFFFF  }
0xa7: {  	s28 =	simm.s32 $_size_execute0_lowered;
	s3 =	sadd.s32 s3, s5;
	[dreg:$0x0] =	wrdreg $0x0  }
0xa8: {  	s5 =	sshll.u32 s28, $0x1;
	[dreg:$0x2] =	wrdreg s3  }
0xa9: {  	[dreg:$0x3] =	wrdreg s5  }
0xaa: {  	[dreg:$0x4] =	wrdreg $0xC0  }
0xab: {  	_ =	task [dreg:s7], $0x5FFFF  }
0xac: {  	[dreg:$0x1] =	wrdreg $0xFFFFFFFF  }
0xad: {  	[dreg:$0x0] =	wrdreg $0x60  }
0xae: {  	[dreg:$0x2] =	wrdreg s24  }
0xaf: {  	[dreg:$0x3] =	wrdreg s2  }
0xb0: {  	[dreg:$0x4] =	wrdreg $0x12E000  }
0xb1: {  	[dreg:$0x5] =	wrdreg $0x9  }
0xb2: {  	_ =	task.clear_ibuf [dreg:s7], $0x6FFFF;
	_ =	strace $0x90000046  }
0xb3: {  	s29 =	simm.s32 $0x9;
	_ =	strace $0x80000048  }
0xb4: {  	_ =	swait.ge [sflag:s29], $0x1  }
0xb5: {  	[sflag:s29] =	ssyncadd.s32 $0xFFFFFFFF  }
0xb6: {  	_ =	strace $0x90000048  }
0xb7: {  	_ =	sfence  }
0xb8: {  	s30 =	sld [smem:$0x0];
	_ =	sdelay $0x2  }
0xb9: {  	s31 =	sshll.u32 s1, $0xD;
	s1 =	sshrl.u32 s1, $0x2  }
0xba: {  	s3 =	sand.u32 $0x4000, s31;
	s1 =	sadd.s32 s1, s30  }
0xbb: {  	s0 =	sor.u32 s3, s0;
	s1 =	sshll.u32 s1, $0x11  }
0xbc: {  	s0 =	sor.u32 s1, s0  }
0xbd: {  	s0 =	sadd.s32 $0x8F2B, s0  }
0xbe: {  	[sflag:s0] =	ssyncadd.remote.s32 $0x1  }
0xbf: {  	_ =	sfence.sel $0xFFFF  }
0xc0: {  	[dreg:$0x0] =	wrdreg $0xFFFFFFFF;
	(pc) =	sbr.abs _section_cstart, $3  }
0xc1: {  	[dreg:$0x1] =	wrdreg $0xFFFFFFFF  }
0xc2: {  	_ =	task.clear_ibuf [dreg:s7], $0x2FFFF;
	_ =	strace $0x9FFFFFFF  }
0xc3: {  	(tm) =	ssettm $0x7FFFFFFF  }
tec
execute0_lowered:
.L_overlay_start_1:
0x0: {  	(tag) =	ssettag $0x1  }
0x1: {  	s0 =	rddreg [dreg:$0x0]  }
0x2: {  	s1 =	rddreg [dreg:$0x1]  }
0x3: {  	s2 =	rddreg [dreg:$0x2];
	s4 =	simm.s32 $0x0  }
0x4: {  	[smem:$0x7FF] =	sst s4;
	s20 =	sadd.s32 $0xE10, s0  }
0x5: {  	s21 =	sadd.s32 $0xE20, s0;
	_ =	strace $0x80000047;
	[dreg:$0x6] =	wrdreg s20  }
0x6: {  	s22 =	sadd.s32 $0xE30, s0;
	[dreg:$0x7] =	wrdreg s21  }
0x7: {  	s23 =	sadd.s32 $0xE40, s0;
	[dreg:$0x8] =	wrdreg s22  }
0x8: {  	s24 =	sadd.s32 $0xE50, s0;
	[dreg:$0x9] =	wrdreg s23  }
0x9: {  	s25 =	sadd.s32 $0xE60, s0;
	[dreg:$0xa] =	wrdreg s24  }
0xa: {  	s26 =	sadd.s32 $0xE70, s0;
	[dreg:$0xb] =	wrdreg s25  }
0xb: {  	s28 =	sadd.s32 $0xE80, s0;
	[dreg:$0xc] =	wrdreg s26  }
0xc: {  	s13 =	sadd.s32 $0xEB0, s0;
	[dreg:$0xd] =	wrdreg s28  }
0xd: {  	s14 =	sadd.s32 $0xEC0, s0;
	[dreg:$0x10] =	wrdreg s13  }
0xe: {  	s15 =	sadd.s32 $0xED0, s0;
	[dreg:$0x11] =	wrdreg s14  }
0xf: {  	s16 =	sadd.s32 $0xEE0, s0;
	[dreg:$0x12] =	wrdreg s15  }
0x10: {  	s17 =	sadd.s32 $0x10, s1;
	[dreg:$0x13] =	wrdreg s16  }
0x11: {  	s18 =	sadd.s32 $0x20, s1;
	[dreg:$0x15] =	wrdreg s17  }
0x12: {  	s19 =	sadd.s32 $0x30, s1;
	[dreg:$0x16] =	wrdreg s18  }
0x13: {  	[dreg:$0x17] =	wrdreg s19;
	s20 =	sadd.s32 $0x40, s1  }
0x14: {  	s21 =	sadd.s32 $0x50, s1;
	[dreg:$0x18] =	wrdreg s20  }
0x15: {  	s3 =	srdreg.scid;
	s22 =	sadd.s32 $0x60, s1;
	[dreg:$0x19] =	wrdreg s21  }
0x16: {  	s6 =	stileid.u32;
	s23 =	sadd.s32 $0x70, s1;
	[dreg:$0x1a] =	wrdreg s22  }
0x17: {  	s3 =	sand.u32 $0x1, s3;
	s24 =	sadd.s32 $0x80, s1;
	[dreg:$0x1b] =	wrdreg s23  }
0x18: {  	s7 =	smul.u32 $0x28000, s6;
	s25 =	sadd.s32 $0x90, s1;
	[dreg:$0x1c] =	wrdreg s24  }
0x19: {  	s10 =	smul.u32 $0x1400, s3;
	s26 =	sadd.s32 $0xA0, s1;
	[dreg:$0x1d] =	wrdreg s25  }
0x1a: {  	s3 =	ssub.s32 $0x2, s3;
	s28 =	sadd.s32 $0xB0, s1;
	[dreg:$0x1e] =	wrdreg s26  }
0x1b: {  	s13 =	sadd.s32 $0xE0, s1;
	s14 =	sadd.s32 $0xF0, s1;
	[dreg:$0x1f] =	wrdreg s28  }
0x1c: {  	s12 =	sshrl.u32 s3, $0x1;
	s7 =	sshrl.u32 s7, $0x2;
	[smem:$0x7EF] =	sst s13  }
0x1d: {  	[smem:$0x7F0] =	sst s14;
	s3 =	ssub.s32 s3, s12;
	s12 =	sadd.s32 $0xEA0, s0  }
0x1e: {  	s7 =	sadd.s32 s7, s2;
	s3 =	smax.u32 s3, $0x1;
	[dreg:$0xf] =	wrdreg s12  }
0x1f: {  	s15 =	sadd.s32 $0x800, s7;
	[dreg:$0x5] =	wrdreg s3  }
0x20: {  	s9 =	smul.u32 $0x140, s6;
	s16 =	sadd.s32 $0x1000, s7;
	[smem:$0x7F1] =	sst s15  }
0x21: {  	s5 =	sadd.s32 $0xAE00, s0;
	s17 =	sadd.s32 $0x1800, s7;
	[smem:$0x7F2] =	sst s16  }
0x22: {  	s6 =	sadd.s32 $0xE00, s0;
	s18 =	sadd.s32 $0x2000, s7;
	[smem:$0x7F3] =	sst s17  }
0x23: {  	s13 =	simm.s32 $0x1;
	s19 =	sadd.s32 $0x2800, s7;
	[smem:$0x7F4] =	sst s18  }
0x24: {  	s14 =	simm.s32 $0x0;
	s20 =	sadd.s32 $0x3000, s7;
	[smem:$0x7F5] =	sst s19  }
0x25: {  	s11 =	sadd.s32 s9, s10;
	s21 =	sadd.s32 $0x3800, s7;
	[smem:$0x7F6] =	sst s20  }
0x26: {  	v4 =	vmov s9;
	s9 =	simm.s32 $0x12600;
	s22 =	sadd.s32 $0x4000, s7;
	[smem:$0x7F7] =	sst s21  }
0x27: {  	v2 =	vmov s10;
	s10 =	simm.s32 $0x3;
	s23 =	sadd.s32 $0x4800, s7;
	[smem:$0x7F8] =	sst s22  }
0x28: {  	s8 =	sshll.u32 s11, $0x4;
	s24 =	sadd.s32 $0x5000, s7;
	[smem:$0x7F9] =	sst s23  }
0x29: {  	s12 =	sadd.s32 $0x140, s11;
	s25 =	sadd.s32 $0x5800, s7;
	[smem:$0x7FA] =	sst s24  }
0x2a: {  	s26 =	sadd.s32 $0x6000, s7;
	s28 =	sadd.s32 $0x6800, s7;
	[smem:$0x7FB] =	sst s25  }
0x2b: {  	s29 =	sadd.s32 $0x7000, s7;
	s30 =	sadd.s32 $0x7800, s7;
	[smem:$0x7FC] =	sst s26  }
0x2c: {  	s8 =	sadd.s32 s8, s0;
	s3 =	sadd.s32 $0xC0, s1;
	[smem:$0x7FD] =	sst s28  }
0x2d: {  	s31 =	sadd.s32 $0x8000, s7;
	s8 =	sadd.s32 $0x32E00, s8;
	[smem:$0x7ED] =	sst s3  }
0x2e: {  	v3 =	vlaneseq.u32;
	v0 =	vmov s11;
	s11 =	simm.s32 $0x2;
	[dreg:$0x4] =	wrdreg s8;
	s8 =	sadd.s32 $0xE90, s0  }
0x2f: {  	v5 =	vimm.f32 $0.0e+00;
	v6 =	vor.u32 $0x10, v3;
	v1 =	vmov s12;
	s12 =	simm.s32 $0x80;
	s0 =	sadd.s32 $0xEF0, s0;
	[dreg:$0xe] =	wrdreg s8  }
0x30: {  	v7 =	vor.u32 $0x20, v3;
	v8 =	vor.u32 $0x30, v3;
	v9 =	vor.u32 $0x40, v3;
	s3 =	sadd.s32 $0x9000, s7;
	[dreg:$0x14] =	wrdreg s0;
	s8 =	sadd.s32 $0xD0, s1  }
0x31: {  	v10 =	vor.u32 $0x50, v3;
	v11 =	vor.u32 $0x60, v3;
	v12 =	vor.u32 $0x70, v3;
	s0 =	sadd.s32 $0x8800, s7;
	[smem:$0x7EE] =	sst s8;
	s8 =	sadd.s32 $0x9800, s7  }
.LBB2_1:
0x32: {  	[tilespmem:s4], [sflag:$0x2] =	stream.linear.gather [hbm4b:s1+s4], $0x80, $0x38;
	[tilespmem:$0x1CE00] =	vst v63  }
0x33: {  	s15 =	rddreg [dreg:$0x15]  }
0x34: {  	s16 =	simm.s32 $0x100;
	s26 =	rddreg [dreg:$0x16]  }
0x35: {  	[tilespmem:s16], [sflag:$0x2] =	stream.linear.gather [hbm4b:s15+s4], $0x80, $0x38;
	[tilespmem:$0x1CE00] =	vst v63  }
0x36: {  	s28 =	simm.s32 $0x200;
	s18 =	rddreg [dreg:$0x18]  }
0x37: {  	[tilespmem:s28], [sflag:$0x2] =	stream.linear.gather [hbm4b:s26+s4], $0x80, $0x38;
	[tilespmem:$0x1CE00] =	vst v63  }
0x38: {  	s17 =	simm.s32 $0x300;
	s16 =	rddreg [dreg:$0x17]  }
0x39: {  	[tilespmem:s17], [sflag:$0x2] =	stream.linear.gather [hbm4b:s16+s4], $0x80, $0x38;
	[tilespmem:$0x1CE00] =	vst v63  }
0x3a: {  	s19 =	simm.s32 $0x400;
	s20 =	rddreg [dreg:$0x19]  }
0x3b: {  	[tilespmem:s19], [sflag:$0x2] =	stream.linear.gather [hbm4b:s18+s4], $0x80, $0x38;
	[tilespmem:$0x1CE00] =	vst v63  }
0x3c: {  	s21 =	simm.s32 $0x500;
	s22 =	rddreg [dreg:$0x1a]  }
0x3d: {  	[tilespmem:s21], [sflag:$0x2] =	stream.linear.gather [hbm4b:s20+s4], $0x80, $0x38;
	[tilespmem:$0x1CE00] =	vst v63  }
0x3e: {  	s23 =	simm.s32 $0x600;
	s24 =	rddreg [dreg:$0x1b]  }
0x3f: {  	[tilespmem:s23], [sflag:$0x2] =	stream.linear.gather [hbm4b:s22+s4], $0x80, $0x38;
	[tilespmem:$0x1CE00] =	vst v63  }
0x40: {  	s25 =	simm.s32 $0x700;
	s26 =	rddreg [dreg:$0x1c]  }
0x41: {  	[tilespmem:s25], [sflag:$0x2] =	stream.linear.gather [hbm4b:s24+s4], $0x80, $0x38;
	[tilespmem:$0x1CE00] =	vst v63  }
0x42: {  	s28 =	simm.s32 $0x800;
	s16 =	rddreg [dreg:$0x1d]  }
0x43: {  	[tilespmem:s28], [sflag:$0x2] =	stream.linear.gather [hbm4b:s26+s4], $0x80, $0x38;
	[tilespmem:$0x1CE00] =	vst v63  }
0x44: {  	s17 =	simm.s32 $0x900;
	s18 =	rddreg [dreg:$0x1e]  }
0x45: {  	[tilespmem:s17], [sflag:$0x2] =	stream.linear.gather [hbm4b:s16+s4], $0x80, $0x38;
	[tilespmem:$0x1CE00] =	vst v63  }
0x46: {  	s19 =	simm.s32 $0xA00;
	s20 =	rddreg [dreg:$0x1f]  }
0x47: {  	[tilespmem:s19], [sflag:$0x2] =	stream.linear.gather [hbm4b:s18+s4], $0x80, $0x38;
	[tilespmem:$0x1CE00] =	vst v63  }
0x48: {  	s21 =	simm.s32 $0xB00;
	s22 =	sld [smem:$0x7ED]  }
0x49: {  	[tilespmem:s21], [sflag:$0x2] =	stream.linear.gather [hbm4b:s20+s4], $0x80, $0x38;
	[tilespmem:$0x1CE00] =	vst v63  }
0x4a: {  	s23 =	simm.s32 $0xC00;
	s24 =	sld [smem:$0x7EE]  }
0x4b: {  	[tilespmem:s23], [sflag:$0x2] =	stream.linear.gather [hbm4b:s22+s4], $0x80, $0x38;
	[tilespmem:$0x1CE00] =	vst v63  }
0x4c: {  	s25 =	simm.s32 $0xD00;
	s26 =	sld [smem:$0x7EF]  }
0x4d: {  	[tilespmem:s25], [sflag:$0x2] =	stream.linear.gather [hbm4b:s24+s4], $0x80, $0x38;
	[tilespmem:$0x1CE00] =	vst v63  }
0x4e: {  	s28 =	simm.s32 $0xE00;
	s17 =	sld [smem:$0x7F0]  }
0x4f: {  	[tilespmem:s28], [sflag:$0x2] =	stream.linear.gather [hbm4b:s26+s4], $0x80, $0x38;
	[tilespmem:$0x1CE00] =	vst v63  }
0x50: {  	s18 =	simm.s32 $0xF00  }
0x51: {  	[tilespmem:s18], [sflag:$0x2] =	stream.linear.gather [hbm4b:s17+s4], $0x80, $0x38;
	[tilespmem:$0x1CE00] =	vst v63  }
0x52: {  	s16 =	rddreg [dreg:$0xa];
	s19 =	simm.s32 $0x1000  }
0x53: {  	[tilespmem:s19], [sflag:$0x2] =	stream.linear.gather [hbm4b:s6+s4], $0x80, $0x38;
	[tilespmem:$0x1CE00] =	vst v63  }
0x54: {  	s20 =	rddreg [dreg:$0x6];
	s21 =	simm.s32 $0x1100  }
0x55: {  	[tilespmem:s21], [sflag:$0x2] =	stream.linear.gather [hbm4b:s20+s4], $0x80, $0x38;
	[tilespmem:$0x1CE00] =	vst v63  }
0x56: {  	s22 =	rddreg [dreg:$0x7];
	s23 =	simm.s32 $0x1200  }
0x57: {  	[tilespmem:s23], [sflag:$0x2] =	stream.linear.gather [hbm4b:s22+s4], $0x80, $0x38;
	[tilespmem:$0x1CE00] =	vst v63  }
0x58: {  	s24 =	rddreg [dreg:$0x8];
	s25 =	simm.s32 $0x1300  }
0x59: {  	[tilespmem:s25], [sflag:$0x2] =	stream.linear.gather [hbm4b:s24+s4], $0x80, $0x38;
	[tilespmem:$0x1CE00] =	vst v63  }
0x5a: {  	s26 =	rddreg [dreg:$0x9];
	s28 =	simm.s32 $0x1400  }
0x5b: {  	[tilespmem:s28], [sflag:$0x2] =	stream.linear.gather [hbm4b:s26+s4], $0x80, $0x38;
	[tilespmem:$0x1CE00] =	vst v63  }
0x5c: {  	s17 =	simm.s32 $0x1500;
	s18 =	rddreg [dreg:$0xb]  }
0x5d: {  	[tilespmem:s17], [sflag:$0x2] =	stream.linear.gather [hbm4b:s16+s4], $0x80, $0x38;
	[tilespmem:$0x1CE00] =	vst v63  }
0x5e: {  	s19 =	simm.s32 $0x1600;
	s20 =	rddreg [dreg:$0xc]  }
0x5f: {  	[tilespmem:s19], [sflag:$0x2] =	stream.linear.gather [hbm4b:s18+s4], $0x80, $0x38;
	[tilespmem:$0x1CE00] =	vst v63  }
0x60: {  	s21 =	simm.s32 $0x1700;
	s22 =	rddreg [dreg:$0xd]  }
0x61: {  	[tilespmem:s21], [sflag:$0x2] =	stream.linear.gather [hbm4b:s20+s4], $0x80, $0x38;
	[tilespmem:$0x1CE00] =	vst v63  }
0x62: {  	s23 =	simm.s32 $0x1800;
	s24 =	rddreg [dreg:$0xe]  }
0x63: {  	[tilespmem:s23], [sflag:$0x2] =	stream.linear.gather [hbm4b:s22+s4], $0x80, $0x38;
	[tilespmem:$0x1CE00] =	vst v63  }
0x64: {  	s25 =	simm.s32 $0x1900;
	s26 =	rddreg [dreg:$0xf]  }
0x65: {  	[tilespmem:s25], [sflag:$0x2] =	stream.linear.gather [hbm4b:s24+s4], $0x80, $0x38;
	[tilespmem:$0x1CE00] =	vst v63  }
0x66: {  	s28 =	simm.s32 $0x1A00;
	s16 =	rddreg [dreg:$0x10]  }
0x67: {  	[tilespmem:s28], [sflag:$0x2] =	stream.linear.gather [hbm4b:s26+s4], $0x80, $0x38;
	[tilespmem:$0x1CE00] =	vst v63  }
0x68: {  	s15 =	simm.s32 $0x40;
	s17 =	simm.s32 $0x1B00;
	s18 =	rddreg [dreg:$0x11]  }
0x69: {  	[tilespmem:s17], [sflag:$0x2] =	stream.linear.gather [hbm4b:s16+s4], $0x80, $0x38;
	[tilespmem:$0x1CE00] =	vst v63  }
0x6a: {  	s19 =	simm.s32 $0x1C00;
	s20 =	rddreg [dreg:$0x12];
	s21 =	simm.s32 $0x1D00  }
0x6b: {  	[tilespmem:s19], [sflag:$0x2] =	stream.linear.gather [hbm4b:s18+s4], $0x80, $0x38;
	[tilespmem:$0x1CE00] =	vst v63  }
0x6c: {  	s22 =	rddreg [dreg:$0x13];
	s23 =	simm.s32 $0x1E00;
	s26 =	sand.u32 $0x1E00, s4  }
0x6d: {  	[tilespmem:s21], [sflag:$0x2] =	stream.linear.gather [hbm4b:s20+s4], $0x80, $0x38;
	[tilespmem:$0x1CE00] =	vst v63  }
0x6e: {  	s24 =	rddreg [dreg:$0x14];
	s28 =	sand.u32 $0x70, s4;
	s17 =	sshrl.u32 s26, $0x2  }
0x6f: {  	[tilespmem:s23], [sflag:$0x2] =	stream.linear.gather [hbm4b:s22+s4], $0x80, $0x38;
	[tilespmem:$0x1CE00] =	vst v63  }
0x70: {  	s25 =	simm.s32 $0x1F00;
	s16 =	simm.s32 $0x0;
	s17 =	sor.u32 s28, s17  }
0x71: {  	[tilespmem:s25], [sflag:$0x2] =	stream.linear.gather [hbm4b:s24+s4], $0x80, $0x38;
	[tilespmem:$0x1CE00] =	vst v63  }
.LBB2_2:
0x72: {  	p0 =	seq.s32 s15, $0x1FC0  }
0x73: {  	[tilespmem:s17+$0x12600] =	vst v5;
	s16 =	sadd.s32 $0x10, s16;
	s17 =	smov.u32 s15;
	s15 =	sadd.s32 $0x40, s15  }
.Ltmp0:
0x74: {  	(pc) =	sbr.rel @!p0 .LBB2_2-.Ltmp0, $4  }
0x75: {  	_ = 	snop  }
0x76: {  	s17 =	sand.u32 $0x1E00, s17  }
0x77: {  	s18 =	sand.u32 $0x70, s16;
	s17 =	sshrl.u32 s17, $0x2  }
0x78: {  	s17 =	sor.u32 s18, s17  }
0x79: {  	[tilespmem:s17+$0x12600] =	vst v5  }
0x7a: {  	[spmem:s7] =	stream.linear.scatter [tilespmem:s9], [sflag:$0x3], $0x800, $0x38;
	[tilespmem:$0x1CE00] =	vst v63  }
0x7b: {  	_ =	swait.ge [sflag:s10], $0x800  }
0x7c: {  	s15 =	sld [smem:$0x7F1]  }
0x7d: {  	[sflag:s10] =	ssyncset.done $0x0  }
0x7e: {  	[sflag:s10] =	ssyncadd.s32 $0xFFFFF800  }
0x7f: {  	[spmem:s15] =	stream.linear.scatter [tilespmem:s9], [sflag:$0x3], $0x800, $0x38;
	[tilespmem:$0x1CE00] =	vst v63  }
0x80: {  	_ =	swait.ge [sflag:s10], $0x800  }
0x81: {  	s16 =	sld [smem:$0x7F2]  }
0x82: {  	[sflag:s10] =	ssyncset.done $0x0  }
0x83: {  	[sflag:s10] =	ssyncadd.s32 $0xFFFFF800  }
0x84: {  	[spmem:s16] =	stream.linear.scatter [tilespmem:s9], [sflag:$0x3], $0x800, $0x38;
	[tilespmem:$0x1CE00] =	vst v63  }
0x85: {  	_ =	swait.ge [sflag:s10], $0x800  }
0x86: {  	s17 =	sld [smem:$0x7F3]  }
0x87: {  	[sflag:s10] =	ssyncset.done $0x0  }
0x88: {  	[sflag:s10] =	ssyncadd.s32 $0xFFFFF800  }
0x89: {  	[spmem:s17] =	stream.linear.scatter [tilespmem:s9], [sflag:$0x3], $0x800, $0x38;
	[tilespmem:$0x1CE00] =	vst v63  }
0x8a: {  	_ =	swait.ge [sflag:s10], $0x800  }
0x8b: {  	s18 =	sld [smem:$0x7F4]  }
0x8c: {  	[sflag:s10] =	ssyncset.done $0x0  }
0x8d: {  	[sflag:s10] =	ssyncadd.s32 $0xFFFFF800  }
0x8e: {  	[spmem:s18] =	stream.linear.scatter [tilespmem:s9], [sflag:$0x3], $0x800, $0x38;
	[tilespmem:$0x1CE00] =	vst v63  }
0x8f: {  	_ =	swait.ge [sflag:s10], $0x800  }
0x90: {  	s19 =	sld [smem:$0x7F5]  }
0x91: {  	[sflag:s10] =	ssyncset.done $0x0  }
0x92: {  	[sflag:s10] =	ssyncadd.s32 $0xFFFFF800  }
0x93: {  	[spmem:s19] =	stream.linear.scatter [tilespmem:s9], [sflag:$0x3], $0x800, $0x38;
	[tilespmem:$0x1CE00] =	vst v63  }
0x94: {  	_ =	swait.ge [sflag:s10], $0x800  }
0x95: {  	s20 =	sld [smem:$0x7F6]  }
0x96: {  	[sflag:s10] =	ssyncset.done $0x0  }
0x97: {  	[sflag:s10] =	ssyncadd.s32 $0xFFFFF800  }
0x98: {  	[spmem:s20] =	stream.linear.scatter [tilespmem:s9], [sflag:$0x3], $0x800, $0x38;
	[tilespmem:$0x1CE00] =	vst v63  }
0x99: {  	_ =	swait.ge [sflag:s10], $0x800  }
0x9a: {  	s21 =	sld [smem:$0x7F7]  }
0x9b: {  	[sflag:s10] =	ssyncset.done $0x0  }
0x9c: {  	[sflag:s10] =	ssyncadd.s32 $0xFFFFF800  }
0x9d: {  	[spmem:s21] =	stream.linear.scatter [tilespmem:s9], [sflag:$0x3], $0x800, $0x38;
	[tilespmem:$0x1CE00] =	vst v63  }
0x9e: {  	_ =	swait.ge [sflag:s10], $0x800  }
0x9f: {  	s22 =	sld [smem:$0x7F8]  }
0xa0: {  	[sflag:s10] =	ssyncset.done $0x0  }
0xa1: {  	[sflag:s10] =	ssyncadd.s32 $0xFFFFF800  }
0xa2: {  	[spmem:s22] =	stream.linear.scatter [tilespmem:s9], [sflag:$0x3], $0x800, $0x38;
	[tilespmem:$0x1CE00] =	vst v63  }
0xa3: {  	_ =	swait.ge [sflag:s10], $0x800  }
0xa4: {  	s23 =	sld [smem:$0x7F9]  }
0xa5: {  	[sflag:s10] =	ssyncset.done $0x0  }
0xa6: {  	[sflag:s10] =	ssyncadd.s32 $0xFFFFF800  }
0xa7: {  	[spmem:s23] =	stream.linear.scatter [tilespmem:s9], [sflag:$0x3], $0x800, $0x38;
	[tilespmem:$0x1CE00] =	vst v63  }
0xa8: {  	_ =	swait.ge [sflag:s10], $0x800  }
0xa9: {  	s24 =	sld [smem:$0x7FA]  }
0xaa: {  	[sflag:s10] =	ssyncset.done $0x0  }
0xab: {  	[sflag:s10] =	ssyncadd.s32 $0xFFFFF800  }
0xac: {  	[spmem:s24] =	stream.linear.scatter [tilespmem:s9], [sflag:$0x3], $0x800, $0x38;
	[tilespmem:$0x1CE00] =	vst v63  }
0xad: {  	_ =	swait.ge [sflag:s10], $0x800  }
0xae: {  	s25 =	sld [smem:$0x7FB]  }
0xaf: {  	[sflag:s10] =	ssyncset.done $0x0  }
0xb0: {  	[sflag:s10] =	ssyncadd.s32 $0xFFFFF800  }
0xb1: {  	[spmem:s25] =	stream.linear.scatter [tilespmem:s9], [sflag:$0x3], $0x800, $0x38;
	[tilespmem:$0x1CE00] =	vst v63  }
0xb2: {  	_ =	swait.ge [sflag:s10], $0x800  }
0xb3: {  	s26 =	sld [smem:$0x7FC]  }
0xb4: {  	[sflag:s10] =	ssyncset.done $0x0  }
0xb5: {  	[sflag:s10] =	ssyncadd.s32 $0xFFFFF800  }
0xb6: {  	[spmem:s26] =	stream.linear.scatter [tilespmem:s9], [sflag:$0x3], $0x800, $0x38;
	[tilespmem:$0x1CE00] =	vst v63  }
0xb7: {  	_ =	swait.ge [sflag:s10], $0x800  }
0xb8: {  	s28 =	sld [smem:$0x7FD]  }
0xb9: {  	[sflag:s10] =	ssyncset.done $0x0  }
0xba: {  	[sflag:s10] =	ssyncadd.s32 $0xFFFFF800  }
0xbb: {  	[spmem:s28] =	stream.linear.scatter [tilespmem:s9], [sflag:$0x3], $0x800, $0x38;
	[tilespmem:$0x1CE00] =	vst v63  }
0xbc: {  	_ =	swait.ge [sflag:s10], $0x800  }
0xbd: {  	[sflag:s10] =	ssyncset.done $0x0  }
0xbe: {  	[sflag:s10] =	ssyncadd.s32 $0xFFFFF800  }
0xbf: {  	[spmem:s29] =	stream.linear.scatter [tilespmem:s9], [sflag:$0x3], $0x800, $0x38;
	[tilespmem:$0x1CE00] =	vst v63  }
0xc0: {  	_ =	swait.ge [sflag:s10], $0x800  }
0xc1: {  	[sflag:s10] =	ssyncset.done $0x0  }
0xc2: {  	[sflag:s10] =	ssyncadd.s32 $0xFFFFF800  }
0xc3: {  	[spmem:s30] =	stream.linear.scatter [tilespmem:s9], [sflag:$0x3], $0x800, $0x38;
	[tilespmem:$0x1CE00] =	vst v63  }
0xc4: {  	_ =	swait.ge [sflag:s10], $0x800  }
0xc5: {  	[sflag:s10] =	ssyncset.done $0x0  }
0xc6: {  	[sflag:s10] =	ssyncadd.s32 $0xFFFFF800  }
0xc7: {  	[spmem:s31] =	stream.linear.scatter [tilespmem:s9], [sflag:$0x3], $0x800, $0x38;
	[tilespmem:$0x1CE00] =	vst v63  }
0xc8: {  	_ =	swait.ge [sflag:s10], $0x800  }
0xc9: {  	[sflag:s10] =	ssyncset.done $0x0  }
0xca: {  	[sflag:s10] =	ssyncadd.s32 $0xFFFFF800  }
0xcb: {  	[spmem:s0] =	stream.linear.scatter [tilespmem:s9], [sflag:$0x3], $0x800, $0x38;
	[tilespmem:$0x1CE00] =	vst v63  }
0xcc: {  	_ =	swait.ge [sflag:s10], $0x800  }
0xcd: {  	[sflag:s10] =	ssyncset.done $0x0  }
0xce: {  	[sflag:s10] =	ssyncadd.s32 $0xFFFFF800  }
0xcf: {  	[spmem:s3] =	stream.linear.scatter [tilespmem:s9], [sflag:$0x3], $0x800, $0x38;
	[tilespmem:$0x1CE00] =	vst v63  }
0xd0: {  	_ =	swait.ge [sflag:s10], $0x800  }
0xd1: {  	[sflag:s10] =	ssyncset.done $0x0  }
.Ltmp1:
0xd2: {  	[sflag:s10] =	ssyncadd.s32 $0xFFFFF800;
	(pc) =	sbr.rel .LBB2_4-.Ltmp1, $4  }
0xd3: {  	[spmem:s8] =	stream.linear.scatter [tilespmem:s9], [sflag:$0x3], $0x800, $0x38;
	[tilespmem:$0x1CE00] =	vst v63  }
0xd4: {  	_ =	swait.ge [sflag:s10], $0x800  }
0xd5: {  	s15 =	simm.s32 $0x0;
	s16 =	simm.s32 $0x0;
	[sflag:s10] =	ssyncset.done $0x0  }
0xd6: {  	s17 =	simm.s32 $0x0;
	s18 =	simm.s32 $0x0;
	[sflag:s10] =	ssyncadd.s32 $0xFFFFF800  }
.LBB2_10:
0xd7: {  	p0 =	sne.s32 s18, $0xA0  }
.Ltmp2:
0xd8: {  	_ = 	snop;
	(pc) =	sbr.rel @!p0 .LBB2_11-.Ltmp2, $2  }
0xd9: {  	_ =	sdelay $0x2  }
0xda: {  	s17 =	sxor.u32 $0x1, s17  }
.LBB2_4:
0xdb: {  	_ =	swait.ge [sflag:s11], $0x800;
	p0 =	seq.s32 s18, $0x9F  }
.Ltmp3:
0xdc: {  	[sflag:s11] =	ssyncset.done $0x0;
	(pc) =	sbr.rel @p0 .LBB2_6-.Ltmp3, $4  }
0xdd: {  	[sflag:s11] =	ssyncadd.s32 $0xFFFFF800  }
0xde: {  	_ =	swait.ge [sflag:s11], $0x800  }
0xdf: {  	[sflag:s11] =	ssyncset.done $0x0  }
0xe0: {  	s18 =	sadd.s32 $0x1, s18;
	s19 =	sshll.u32 s17, $0x7;
	[sflag:s11] =	ssyncadd.s32 $0xFFFFF800  }
0xe1: {  	s21 =	sshll.u32 s18, $0x8  }
0xe2: {  	s20 =	sxor.u32 $0x80, s19;
	s22 =	sadd.s32 s1, s21  }
0xe3: {  	[tilespmem:s20], [sflag:$0x2] =	stream.linear.gather [hbm4b:s22+s4], $0x80, $0x38;
	[tilespmem:$0x1CE00] =	vst v63  }
0xe4: {  	s24 =	sadd.s32 $0x100, s20;
	s23 =	sadd.s32 $0x10, s22  }
0xe5: {  	[tilespmem:s24], [sflag:$0x2] =	stream.linear.gather [hbm4b:s23+s4], $0x80, $0x38;
	[tilespmem:$0x1CE00] =	vst v63  }
0xe6: {  	s25 =	sadd.s32 $0x200, s20;
	s24 =	sadd.s32 $0x20, s22  }
0xe7: {  	[tilespmem:s25], [sflag:$0x2] =	stream.linear.gather [hbm4b:s24+s4], $0x80, $0x38;
	[tilespmem:$0x1CE00] =	vst v63  }
0xe8: {  	s28 =	sadd.s32 $0x300, s20;
	s26 =	sadd.s32 $0x30, s22  }
0xe9: {  	[tilespmem:s28], [sflag:$0x2] =	stream.linear.gather [hbm4b:s26+s4], $0x80, $0x38;
	[tilespmem:$0x1CE00] =	vst v63  }
0xea: {  	s24 =	sadd.s32 $0x40, s22;
	s25 =	sadd.s32 $0x400, s20  }
0xeb: {  	[tilespmem:s25], [sflag:$0x2] =	stream.linear.gather [hbm4b:s24+s4], $0x80, $0x38;
	[tilespmem:$0x1CE00] =	vst v63  }
0xec: {  	s26 =	sadd.s32 $0x50, s22;
	s28 =	sadd.s32 $0x500, s20  }
0xed: {  	[tilespmem:s28], [sflag:$0x2] =	stream.linear.gather [hbm4b:s26+s4], $0x80, $0x38;
	[tilespmem:$0x1CE00] =	vst v63  }
0xee: {  	s24 =	sadd.s32 $0x60, s22;
	s25 =	sadd.s32 $0x600, s20  }
0xef: {  	[tilespmem:s25], [sflag:$0x2] =	stream.linear.gather [hbm4b:s24+s4], $0x80, $0x38;
	[tilespmem:$0x1CE00] =	vst v63  }
0xf0: {  	s26 =	sadd.s32 $0x70, s22;
	s28 =	sadd.s32 $0x700, s20  }
0xf1: {  	[tilespmem:s28], [sflag:$0x2] =	stream.linear.gather [hbm4b:s26+s4], $0x80, $0x38;
	[tilespmem:$0x1CE00] =	vst v63  }
0xf2: {  	s24 =	sadd.s32 $0x80, s22;
	s25 =	sadd.s32 $0x800, s20  }
0xf3: {  	[tilespmem:s25], [sflag:$0x2] =	stream.linear.gather [hbm4b:s24+s4], $0x80, $0x38;
	[tilespmem:$0x1CE00] =	vst v63  }
0xf4: {  	s26 =	sadd.s32 $0x90, s22;
	s28 =	sadd.s32 $0x900, s20  }
0xf5: {  	[tilespmem:s28], [sflag:$0x2] =	stream.linear.gather [hbm4b:s26+s4], $0x80, $0x38;
	[tilespmem:$0x1CE00] =	vst v63  }
0xf6: {  	s24 =	sadd.s32 $0xA0, s22;
	s25 =	sadd.s32 $0xA00, s20  }
0xf7: {  	[tilespmem:s25], [sflag:$0x2] =	stream.linear.gather [hbm4b:s24+s4], $0x80, $0x38;
	[tilespmem:$0x1CE00] =	vst v63  }
0xf8: {  	s26 =	sadd.s32 $0xB0, s22;
	s28 =	sadd.s32 $0xB00, s20  }
0xf9: {  	[tilespmem:s28], [sflag:$0x2] =	stream.linear.gather [hbm4b:s26+s4], $0x80, $0x38;
	[tilespmem:$0x1CE00] =	vst v63  }
0xfa: {  	s24 =	sadd.s32 $0xC0, s22;
	s25 =	sadd.s32 $0xC00, s20  }
0xfb: {  	[tilespmem:s25], [sflag:$0x2] =	stream.linear.gather [hbm4b:s24+s4], $0x80, $0x38;
	[tilespmem:$0x1CE00] =	vst v63  }
0xfc: {  	s26 =	sadd.s32 $0xD0, s22;
	s28 =	sadd.s32 $0xD00, s20  }
0xfd: {  	[tilespmem:s28], [sflag:$0x2] =	stream.linear.gather [hbm4b:s26+s4], $0x80, $0x38;
	[tilespmem:$0x1CE00] =	vst v63  }
0xfe: {  	s25 =	sadd.s32 $0xE0, s22;
	s26 =	sadd.s32 $0xE00, s20  }
0xff: {  	[tilespmem:s26], [sflag:$0x2] =	stream.linear.gather [hbm4b:s25+s4], $0x80, $0x38;
	[tilespmem:$0x1CE00] =	vst v63  }
0x100: {  	s22 =	sadd.s32 $0xF0, s22;
	s28 =	sadd.s32 $0xF00, s20  }
0x101: {  	[tilespmem:s28], [sflag:$0x2] =	stream.linear.gather [hbm4b:s22+s4], $0x80, $0x38;
	[tilespmem:$0x1CE00] =	vst v63  }
0x102: {  	s21 =	sadd.s32 s6, s21;
	s23 =	sadd.s32 $0x1000, s20  }
0x103: {  	[tilespmem:s23], [sflag:$0x2] =	stream.linear.gather [hbm4b:s21+s4], $0x80, $0x38;
	[tilespmem:$0x1CE00] =	vst v63  }
0x104: {  	s24 =	sadd.s32 $0x10, s21;
	s25 =	sadd.s32 $0x1100, s20  }
0x105: {  	[tilespmem:s25], [sflag:$0x2] =	stream.linear.gather [hbm4b:s24+s4], $0x80, $0x38;
	[tilespmem:$0x1CE00] =	vst v63  }
0x106: {  	s26 =	sadd.s32 $0x20, s21;
	s28 =	sadd.s32 $0x1200, s20  }
0x107: {  	[tilespmem:s28], [sflag:$0x2] =	stream.linear.gather [hbm4b:s26+s4], $0x80, $0x38;
	[tilespmem:$0x1CE00] =	vst v63  }
0x108: {  	s24 =	sadd.s32 $0x30, s21;
	s25 =	sadd.s32 $0x1300, s20  }
0x109: {  	[tilespmem:s25], [sflag:$0x2] =	stream.linear.gather [hbm4b:s24+s4], $0x80, $0x38;
	[tilespmem:$0x1CE00] =	vst v63  }
0x10a: {  	s26 =	sadd.s32 $0x40, s21;
	s28 =	sadd.s32 $0x1400, s20  }
0x10b: {  	[tilespmem:s28], [sflag:$0x2] =	stream.linear.gather [hbm4b:s26+s4], $0x80, $0x38;
	[tilespmem:$0x1CE00] =	vst v63  }
0x10c: {  	s24 =	sadd.s32 $0x50, s21;
	s25 =	sadd.s32 $0x1500, s20  }
0x10d: {  	[tilespmem:s25], [sflag:$0x2] =	stream.linear.gather [hbm4b:s24+s4], $0x80, $0x38;
	[tilespmem:$0x1CE00] =	vst v63  }
0x10e: {  	s26 =	sadd.s32 $0x60, s21;
	s28 =	sadd.s32 $0x1600, s20  }
0x10f: {  	[tilespmem:s28], [sflag:$0x2] =	stream.linear.gather [hbm4b:s26+s4], $0x80, $0x38;
	[tilespmem:$0x1CE00] =	vst v63  }
0x110: {  	s24 =	sadd.s32 $0x70, s21;
	s25 =	sadd.s32 $0x1700, s20  }
0x111: {  	[tilespmem:s25], [sflag:$0x2] =	stream.linear.gather [hbm4b:s24+s4], $0x80, $0x38;
	[tilespmem:$0x1CE00] =	vst v63  }
0x112: {  	s26 =	sadd.s32 $0x80, s21;
	s28 =	sadd.s32 $0x1800, s20  }
0x113: {  	[tilespmem:s28], [sflag:$0x2] =	stream.linear.gather [hbm4b:s26+s4], $0x80, $0x38;
	[tilespmem:$0x1CE00] =	vst v63  }
0x114: {  	s24 =	sadd.s32 $0x90, s21;
	s25 =	sadd.s32 $0x1900, s20  }
0x115: {  	[tilespmem:s25], [sflag:$0x2] =	stream.linear.gather [hbm4b:s24+s4], $0x80, $0x38;
	[tilespmem:$0x1CE00] =	vst v63  }
0x116: {  	s26 =	sadd.s32 $0xA0, s21;
	s28 =	sadd.s32 $0x1A00, s20  }
0x117: {  	[tilespmem:s28], [sflag:$0x2] =	stream.linear.gather [hbm4b:s26+s4], $0x80, $0x38;
	[tilespmem:$0x1CE00] =	vst v63  }
0x118: {  	s24 =	sadd.s32 $0xB0, s21;
	s25 =	sadd.s32 $0x1B00, s20  }
0x119: {  	[tilespmem:s25], [sflag:$0x2] =	stream.linear.gather [hbm4b:s24+s4], $0x80, $0x38;
	[tilespmem:$0x1CE00] =	vst v63  }
0x11a: {  	s26 =	sadd.s32 $0xC0, s21;
	s28 =	sadd.s32 $0x1C00, s20  }
0x11b: {  	[tilespmem:s28], [sflag:$0x2] =	stream.linear.gather [hbm4b:s26+s4], $0x80, $0x38;
	[tilespmem:$0x1CE00] =	vst v63  }
0x11c: {  	s24 =	sadd.s32 $0xD0, s21;
	s25 =	sadd.s32 $0x1D00, s20  }
0x11d: {  	[tilespmem:s25], [sflag:$0x2] =	stream.linear.gather [hbm4b:s24+s4], $0x80, $0x38;
	[tilespmem:$0x1CE00] =	vst v63  }
0x11e: {  	s26 =	sadd.s32 $0xE0, s21;
	s28 =	sadd.s32 $0x1E00, s20  }
0x11f: {  	[tilespmem:s28], [sflag:$0x2] =	stream.linear.gather [hbm4b:s26+s4], $0x80, $0x38;
	[tilespmem:$0x1CE00] =	vst v63  }
0x120: {  	s21 =	sadd.s32 $0xF0, s21;
	s20 =	sadd.s32 $0x1F00, s20  }
0x121: {  	[tilespmem:s20], [sflag:$0x2] =	stream.linear.gather [hbm4b:s21+s4], $0x80, $0x38;
	[tilespmem:$0x1CE00] =	vst v63  }
.LBB2_6:
.Ltmp4:
0x122: {  	(pc) =	sbr.rel .LBB2_7-.Ltmp4, $3  }
0x123: {  	_ =	sdelay $0x1  }
0x124: {  	s19 =	sand.u32 $0x80, s19;
	s23 =	simm.s32 $0x0;
	s24 =	simm.s32 $0x0  }
0x125: {  	s20 =	sor.u32 $0x10, s19;
	s21 =	sor.u32 $0x20, s19;
	s22 =	sor.u32 $0x30, s19  }
.LBB2_9:
0x126: {  	s24 =	sadd.s32 $0x40, s24  }
0x127: {  	p1 =	sne.s32 s24, $0x800  }
.Ltmp5:
0x128: {  	_ = 	snop;
	(pc) =	sbr.rel @!p1 .LBB2_10-.Ltmp5, $4  }
0x129: {  	_ = 	snop  }
0x12a: {  	p0 =	sgt.s32 s16, $0x7F;
	s25 =	simm.s32 $0x1  }
0x12b: {  	s26 =	sadd.s32 $0xFFFFFF80, s16;
	s25 =	simm.s32 @!p0 $0x0  }
0x12c: {  	s23 =	sadd.s32 $0x80, s23;
	s16 =	smov.u32 @p0 s26;
	s15 =	sadd.s32 s25, s15  }
.LBB2_7:
0x12d: {  	s25 =	sand.u32 $0x40, s24  }
0x12e: {  	s26 =	sand.u32 $0xF00, s23;
	s28 =	sor.u32 s19, s25  }
0x12f: {  	s28 =	sor.u32 s26, s28  }
0x130: {  	v13 =	vld [tilespmem:s28+$0x1000];
	_ =	sdelay $0x1  }
0x131: {  	v14 =	vld [tilespmem:s28+$0x0];
	_ =	sdelay $0x2  }
0x132: {  	vm0 =	vge.s32 v13, v0;
	vm1 =	vlt.s32 v13, v1  }
0x133: {  	vm0 =	vmand vm0, vm1  }
0x134: {  	s28 =	sor.u32 s20, s25;
	v13 =	vsub.s32 v13, v2;
	v15 =	vmpcnt.ones.xlane vm0;
	[tilespmem:s16+$0x2000] =	vst.msk vm0, v14  }
0x135: {  	s28 =	sor.u32 s26, s28;
	[tilespmem:s16+$0x2100] =	vst.msk vm0, v13  }
0x136: {  	(v2sf) =	vpush v15, $0x0;
	v13 =	vld [tilespmem:s28+$0x1000];
	_ =	sdelay $0x4  }
0x137: {  	vm10 =	vge.s32 v13, v0;
	vm11 =	vlt.s32 v13, v1  }
0x138: {  	vm0 =	vmand vm10, vm11  }
0x139: {  	v14 =	vmpcnt.ones.xlane vm0;
	_ =	sdelay $0x1  }
0x13a: {  	(v2sf) =	vpush v14, $0x0;
	_ =	sdelay $0x2  }
0x13b: {  	v14 =	vld [tilespmem:s28+$0x0];
	_ =	sdelay $0x2  }
0x13c: {  	s28 =	spop (v2sf)  }
0x13d: {  	s16 =	sadd.s32 s16, s28  }
0x13e: {  	v13 =	vsub.s32 v13, v2;
	s28 =	sor.u32 s21, s25;
	[tilespmem:s16+$0x2000] =	vst.msk vm0, v14  }
0x13f: {  	s28 =	sor.u32 s26, s28;
	[tilespmem:s16+$0x2100] =	vst.msk vm0, v13  }
0x140: {  	v13 =	vld [tilespmem:s28+$0x1000];
	_ =	sdelay $0x1  }
0x141: {  	v14 =	vld [tilespmem:s28+$0x0];
	_ =	sdelay $0x2  }
0x142: {  	s28 =	spop (v2sf);
	vm12 =	vge.s32 v13, v0;
	vm13 =	vlt.s32 v13, v1  }
0x143: {  	s16 =	sadd.s32 s16, s28;
	vm0 =	vmand vm12, vm13  }
0x144: {  	s25 =	sor.u32 s22, s25;
	v13 =	vsub.s32 v13, v2;
	[tilespmem:s16+$0x2000] =	vst.msk vm0, v14  }
0x145: {  	s25 =	sor.u32 s26, s25;
	[tilespmem:s16+$0x2100] =	vst.msk vm0, v13  }
0x146: {  	v13 =	vld [tilespmem:s25+$0x1000];
	_ =	sdelay $0x4  }
0x147: {  	vm14 =	vge.s32 v13, v0;
	vm2 =	vlt.s32 v13, v1  }
0x148: {  	v14 =	vmpcnt.ones.xlane vm0;
	vm15 =	vmand vm14, vm2  }
0x149: {  	v15 =	vmpcnt.ones.xlane vm15  }
0x14a: {  	(v2sf) =	vpush v14, $0x0  }
0x14b: {  	(v2sf) =	vpush v15, $0x0;
	_ =	sdelay $0xd  }
0x14c: {  	s26 =	spop (v2sf)  }
0x14d: {  	v14 =	vld [tilespmem:s25+$0x0];
	s25 =	sadd.s32 s16, s26;
	s28 =	spop (v2sf)  }
0x14e: {  	s16 =	sadd.s32 s25, s28  }
0x14f: {  	p0 =	slt.s32 s16, $0x80  }
.Ltmp6:
0x150: {  	_ = 	snop;
	(pc) =	sbr.rel @p0 .LBB2_9-.Ltmp6, $3  }
0x151: {  	_ =	sdelay $0x1  }
0x152: {  	v13 =	vsub.s32 v13, v2;
	[tilespmem:s25+$0x2000] =	vst.msk vm15, v14  }
0x153: {  	[tilespmem:s25+$0x2100] =	vst.msk vm15, v13  }
0x154: {  	p0 =	slt.s32 s15, $0x3  }
0x155: {  	s25 =	sadd.s32 @!p0 $0x1, s15  }
0x156: {  	s26 =	simm.s32 @!p0 $0x1;
	s25 =	sand.u32 @!p0 $0x3, s25  }
0x157: {  	_ =	swait.ge @!p0 [sflag:s26], $0x4000;
	s28 =	sshll.u32 @!p0 s25, $0xE  }
0x158: {  	[sflag:s26] =	ssyncset.done @!p0 $0x0;
	s25 =	sshll.u32 @!p0 s25, $0x7;
	s28 =	sor.u32 @!p0 $0x2600, s28  }
0x159: {  	[sflag:s26] =	ssyncadd.s32 @!p0 $0xFFFFC000;
	s25 =	sor.u32 @!p0 $0x2400, s25;
	s26 =	simm.s32 @!p0 $0x80  }
0x15a: {  	[spmem:s2] =	stream.indirect.scatter.add.f32 @!p0 [tilespmem:s28], [sflag:$0x3], $0x80, s25, s26, $0xb8;
	[tilespmem:$0x1CE00] =	vst v63  }
0x15b: {  	s25 =	simm.s32 @!p0 $0x3  }
0x15c: {  	_ =	swait.ge @!p0 [sflag:s25], $0x4000  }
0x15d: {  	[sflag:s25] =	ssyncset.done @!p0 $0x0  }
0x15e: {  	[sflag:s25] =	ssyncadd.s32 @!p0 $0xFFFFC000  }
0x15f: {  	v13 =	vld [tilespmem:$0x2000];
	_ =	sdelay $0x2  }
0x160: {  	s28 =	sand.u32 $0x3, s15  }
0x161: {  	s26 =	sshll.u32 s28, $0x7  }
0x162: {  	[tilespmem:s26+$0x2200] =	vst v13  }
0x163: {  	v13 =	vld [tilespmem:$0x2100];
	_ =	sdelay $0x4  }
0x164: {  	[tilespmem:s26+$0x2400] =	vst v13  }
0x165: {  	v13 =	vld [tilespmem:$0x2010];
	_ =	sdelay $0x4  }
0x166: {  	[tilespmem:s26+$0x2210] =	vst v13  }
0x167: {  	v13 =	vld [tilespmem:$0x2110];
	_ =	sdelay $0x4  }
0x168: {  	[tilespmem:s26+$0x2410] =	vst v13  }
0x169: {  	v13 =	vld [tilespmem:$0x2020];
	_ =	sdelay $0x4  }
0x16a: {  	[tilespmem:s26+$0x2220] =	vst v13  }
0x16b: {  	v13 =	vld [tilespmem:$0x2120];
	_ =	sdelay $0x4  }
0x16c: {  	[tilespmem:s26+$0x2420] =	vst v13  }
0x16d: {  	v13 =	vld [tilespmem:$0x2030];
	_ =	sdelay $0x4  }
0x16e: {  	[tilespmem:s26+$0x2230] =	vst v13  }
0x16f: {  	v13 =	vld [tilespmem:$0x2130];
	_ =	sdelay $0x4  }
0x170: {  	[tilespmem:s26+$0x2430] =	vst v13  }
0x171: {  	v13 =	vld [tilespmem:$0x2040];
	_ =	sdelay $0x4  }
0x172: {  	[tilespmem:s26+$0x2240] =	vst v13  }
0x173: {  	v13 =	vld [tilespmem:$0x2140];
	_ =	sdelay $0x4  }
0x174: {  	[tilespmem:s26+$0x2440] =	vst v13  }
0x175: {  	v13 =	vld [tilespmem:$0x2050];
	_ =	sdelay $0x4  }
0x176: {  	[tilespmem:s26+$0x2250] =	vst v13  }
0x177: {  	v13 =	vld [tilespmem:$0x2150];
	_ =	sdelay $0x4  }
0x178: {  	[tilespmem:s26+$0x2450] =	vst v13  }
0x179: {  	v13 =	vld [tilespmem:$0x2060];
	_ =	sdelay $0x4  }
0x17a: {  	[tilespmem:s26+$0x2260] =	vst v13  }
0x17b: {  	v13 =	vld [tilespmem:$0x2160];
	_ =	sdelay $0x4  }
0x17c: {  	[tilespmem:s26+$0x2460] =	vst v13  }
0x17d: {  	v13 =	vld [tilespmem:$0x2070];
	_ =	sdelay $0x4  }
0x17e: {  	[tilespmem:s26+$0x2270] =	vst v13  }
0x17f: {  	v13 =	vld [tilespmem:$0x2170];
	_ =	sdelay $0x3  }
0x180: {  	s25 =	sshll.u32 s28, $0xE  }
0x181: {  	s28 =	sor.u32 $0x2200, s26;
	s25 =	sor.u32 $0x2600, s25;
	[tilespmem:s26+$0x2470] =	vst v13  }
0x182: {  	[tilespmem:s25], [sflag:$0x1] =	stream.indirect.gather [hbm4b:s5+s12], $0x80, s28, s12, $0xb8;
	[tilespmem:$0x1CE00] =	vst v63  }
0x183: {  	v13 =	vld [tilespmem:$0x2080]  }
0x184: {  	v14 =	vld [tilespmem:$0x2180]  }
0x185: {  	v15 =	vld [tilespmem:$0x2090]  }
0x186: {  	v16 =	vld [tilespmem:$0x2190]  }
0x187: {  	v17 =	vld [tilespmem:$0x20A0]  }
0x188: {  	[tilespmem:$0x2000] =	vst v13;
	v13 =	vld [tilespmem:$0x21A0]  }
0x189: {  	[tilespmem:$0x2100] =	vst v14;
	v14 =	vld [tilespmem:$0x20B0]  }
0x18a: {  	[tilespmem:$0x2010] =	vst v15;
	v15 =	vld [tilespmem:$0x21B0]  }
.Ltmp7:
0x18b: {  	[tilespmem:$0x2110] =	vst v16;
	(pc) =	sbr.rel .LBB2_9-.Ltmp7, $4  }
0x18c: {  	[tilespmem:$0x2020] =	vst v17  }
0x18d: {  	[tilespmem:$0x2120] =	vst v13  }
0x18e: {  	[tilespmem:$0x2030] =	vst v14  }
0x18f: {  	[tilespmem:$0x2130] =	vst v15  }
.LBB2_11:
0x190: {  	p0 =	slt.s32 s15, $0x3  }
.Ltmp8:
0x191: {  	_ = 	snop;
	(pc) =	sbr.rel @p0 .LBB2_13-.Ltmp8, $1  }
0x192: {  	_ =	sdelay $0x3  }
0x193: {  	s17 =	sadd.s32 $0x1, s15;
	_ =	swait.ge [sflag:s13], $0x4000  }
0x194: {  	s17 =	sand.u32 $0x3, s17;
	[sflag:s13] =	ssyncset.done $0x0  }
0x195: {  	s18 =	sshll.u32 s17, $0xE;
	s17 =	sshll.u32 s17, $0x7;
	[sflag:s13] =	ssyncadd.s32 $0xFFFFC000  }
.Ltmp9:
0x196: {  	s18 =	sor.u32 $0x2600, s18;
	s17 =	sor.u32 $0x2400, s17;
	(pc) =	sbr.rel .LBB2_14-.Ltmp9, $4  }
0x197: {  	[spmem:s2] =	stream.indirect.scatter.add.f32 [tilespmem:s18], [sflag:$0x3], $0x80, s17, s12, $0xb8;
	[tilespmem:$0x1CE00] =	vst v63  }
0x198: {  	_ =	swait.ge [sflag:s10], $0x4000  }
0x199: {  	[sflag:s10] =	ssyncset.done $0x0  }
0x19a: {  	[sflag:s10] =	ssyncadd.s32 $0xFFFFC000  }
.LBB2_13:
0x19b: {  	p0 =	sne.s32 s15, $0x2  }
.Ltmp10:
0x19c: {  	_ = 	snop;
	(pc) =	sbr.rel @p0 .LBB2_15-.Ltmp10, $1  }
0x19d: {  	_ =	sdelay $0x3  }
.LBB2_14:
0x19e: {  	s17 =	sand.u32 $0x3, s15  }
0x19f: {  	_ =	swait.ge [sflag:s13], $0x4000;
	s17 =	sxor.u32 $0x2, s17  }
0x1a0: {  	[sflag:s13] =	ssyncset.done $0x0;
	s18 =	sshll.u32 s17, $0xE;
	s17 =	sshll.u32 s17, $0x7  }
0x1a1: {  	[sflag:s13] =	ssyncadd.s32 $0xFFFFC000;
	s18 =	sor.u32 $0x2600, s18;
	s17 =	sor.u32 $0x2400, s17  }
0x1a2: {  	[spmem:s2] =	stream.indirect.scatter.add.f32 [tilespmem:s18], [sflag:$0x3], $0x80, s17, s12, $0xb8;
	[tilespmem:$0x1CE00] =	vst v63  }
0x1a3: {  	_ =	swait.ge [sflag:s10], $0x4000  }
0x1a4: {  	[sflag:s10] =	ssyncset.done $0x0  }
0x1a5: {  	[sflag:s10] =	ssyncadd.s32 $0xFFFFC000  }
.LBB2_16:
0x1a6: {  	s17 =	sadd.s32 $0xFFFFFFFF, s15  }
0x1a7: {  	_ =	swait.ge [sflag:s13], $0x4000;
	s17 =	sand.u32 $0x3, s17  }
0x1a8: {  	[sflag:s13] =	ssyncset.done $0x0;
	s18 =	sshll.u32 s17, $0xE;
	s17 =	sshll.u32 s17, $0x7  }
0x1a9: {  	[sflag:s13] =	ssyncadd.s32 $0xFFFFC000;
	s18 =	sor.u32 $0x2600, s18;
	s17 =	sor.u32 $0x2400, s17  }
0x1aa: {  	[spmem:s2] =	stream.indirect.scatter.add.f32 [tilespmem:s18], [sflag:$0x3], $0x80, s17, s12, $0xb8;
	[tilespmem:$0x1CE00] =	vst v63  }
0x1ab: {  	_ =	swait.ge [sflag:s10], $0x4000  }
0x1ac: {  	[sflag:s10] =	ssyncset.done $0x0  }
0x1ad: {  	[sflag:s10] =	ssyncadd.s32 $0xFFFFC000  }
.LBB2_17:
0x1ae: {  	v13 =	vld [tilespmem:$0x2000];
	_ =	sdelay $0x2  }
0x1af: {  	v14 =	vmov s16  }
0x1b0: {  	s15 =	sand.u32 $0x3, s15;
	vm0 =	vgt.s32 v14, v3  }
0x1b1: {  	s23 =	sshll.u32 s15, $0x7;
	v13 =	vnsel vm0, $0x2710, v13  }
0x1b2: {  	[tilespmem:s23+$0x2200] =	vst v13  }
0x1b3: {  	v13 =	vld [tilespmem:$0x2100];
	_ =	sdelay $0x4  }
0x1b4: {  	v13 =	vsel vm0, v13, v4  }
0x1b5: {  	[tilespmem:s23+$0x2400] =	vst v13  }
0x1b6: {  	v13 =	vld [tilespmem:$0x2010];
	_ =	sdelay $0x3  }
0x1b7: {  	vm9 =	vgt.s32 v14, v6  }
0x1b8: {  	v13 =	vnsel vm9, $0x2710, v13  }
0x1b9: {  	[tilespmem:s23+$0x2210] =	vst v13  }
0x1ba: {  	v13 =	vld [tilespmem:$0x2110];
	_ =	sdelay $0x4  }
0x1bb: {  	v13 =	vsel vm9, v13, v4  }
0x1bc: {  	[tilespmem:s23+$0x2410] =	vst v13  }
0x1bd: {  	v13 =	vld [tilespmem:$0x2020];
	_ =	sdelay $0x3  }
0x1be: {  	vm10 =	vgt.s32 v14, v7  }
0x1bf: {  	v13 =	vnsel vm10, $0x2710, v13  }
0x1c0: {  	[tilespmem:s23+$0x2220] =	vst v13  }
0x1c1: {  	v13 =	vld [tilespmem:$0x2120];
	_ =	sdelay $0x4  }
0x1c2: {  	v13 =	vsel vm10, v13, v4  }
0x1c3: {  	[tilespmem:s23+$0x2420] =	vst v13  }
0x1c4: {  	v13 =	vld [tilespmem:$0x2030];
	_ =	sdelay $0x3  }
0x1c5: {  	vm11 =	vgt.s32 v14, v8  }
0x1c6: {  	v13 =	vnsel vm11, $0x2710, v13  }
0x1c7: {  	[tilespmem:s23+$0x2230] =	vst v13  }
0x1c8: {  	v13 =	vld [tilespmem:$0x2130];
	_ =	sdelay $0x4  }
0x1c9: {  	v13 =	vsel vm11, v13, v4  }
0x1ca: {  	[tilespmem:s23+$0x2430] =	vst v13  }
0x1cb: {  	v13 =	vld [tilespmem:$0x2040];
	_ =	sdelay $0x3  }
0x1cc: {  	vm12 =	vgt.s32 v14, v9  }
0x1cd: {  	v13 =	vnsel vm12, $0x2710, v13  }
0x1ce: {  	[tilespmem:s23+$0x2240] =	vst v13  }
0x1cf: {  	v13 =	vld [tilespmem:$0x2140];
	_ =	sdelay $0x4  }
0x1d0: {  	v13 =	vsel vm12, v13, v4  }
0x1d1: {  	[tilespmem:s23+$0x2440] =	vst v13  }
0x1d2: {  	v13 =	vld [tilespmem:$0x2050];
	_ =	sdelay $0x3  }
0x1d3: {  	vm13 =	vgt.s32 v14, v10  }
0x1d4: {  	v13 =	vnsel vm13, $0x2710, v13  }
0x1d5: {  	[tilespmem:s23+$0x2250] =	vst v13  }
0x1d6: {  	v13 =	vld [tilespmem:$0x2150];
	_ =	sdelay $0x4  }
0x1d7: {  	v13 =	vsel vm13, v13, v4  }
0x1d8: {  	[tilespmem:s23+$0x2450] =	vst v13  }
0x1d9: {  	v13 =	vld [tilespmem:$0x2060];
	_ =	sdelay $0x3  }
0x1da: {  	vm14 =	vgt.s32 v14, v11  }
0x1db: {  	v13 =	vnsel vm14, $0x2710, v13  }
0x1dc: {  	[tilespmem:s23+$0x2260] =	vst v13  }
0x1dd: {  	v13 =	vld [tilespmem:$0x2160];
	_ =	sdelay $0x4  }
0x1de: {  	v13 =	vsel vm14, v13, v4  }
0x1df: {  	[tilespmem:s23+$0x2460] =	vst v13  }
0x1e0: {  	v13 =	vld [tilespmem:$0x2070];
	_ =	sdelay $0x3  }
0x1e1: {  	vm15 =	vgt.s32 v14, v12  }
0x1e2: {  	v13 =	vnsel vm15, $0x2710, v13  }
0x1e3: {  	[tilespmem:s23+$0x2270] =	vst v13  }
0x1e4: {  	v13 =	vld [tilespmem:$0x2170];
	_ =	sdelay $0x4  }
0x1e5: {  	s15 =	sshll.u32 s15, $0xE;
	v13 =	vsel vm15, v13, v4  }
0x1e6: {  	s17 =	sor.u32 $0x2200, s23;
	s15 =	sor.u32 $0x2600, s15;
	[tilespmem:s23+$0x2470] =	vst v13  }
0x1e7: {  	[tilespmem:s15], [sflag:$0x1] =	stream.indirect.gather [hbm4b:s5+s12], $0x80, s17, s12, $0xb8;
	[tilespmem:$0x1CE00] =	vst v63  }
0x1e8: {  	_ =	swait.ge [sflag:s13], $0x4000  }
0x1e9: {  	[sflag:s13] =	ssyncset.done $0x0  }
0x1ea: {  	s16 =	sor.u32 $0x2400, s23;
	[sflag:s13] =	ssyncadd.s32 $0xFFFFC000  }
0x1eb: {  	[spmem:s2] =	stream.indirect.scatter.add.f32 [tilespmem:s15], [sflag:$0x3], $0x80, s16, s12, $0xb8;
	[tilespmem:$0x1CE00] =	vst v63  }
0x1ec: {  	s24 =	stileid.u32;
	_ =	swait.ge [sflag:s10], $0x4000  }
0x1ed: {  	s25 =	sshrl.u32 s7, $0x3;
	s15 =	sshll.u32 s24, $0x6;
	[sflag:s10] =	ssyncset.done $0x0  }
0x1ee: {  	s15 =	sor.u32 $0x1C03, s15;
	s26 =	rddreg [dreg:$0x4];
	[sflag:s10] =	ssyncadd.s32 $0xFFFFC000  }
0x1ef: {  	[hbm:s26], [sflag:s15] =	dma.local [spmem:s25], $0x1400  }
0x1f0: {  	_ =	swait.ge [sflag:s10], $0x1400  }
0x1f1: {  	s14 =	sadd.s32 $0x1, s14;
	s28 =	rddreg [dreg:$0x5]  }
0x1f2: {  	p0 =	sne.s32 s14, s28  }
.Ltmp11:
0x1f3: {  	_ = 	snop;
	(pc) =	sbr.rel @p0 .LBB2_1-.Ltmp11, $4  }
.Ltmp12:
0x1f4: {  	_ = 	snop;
	(pc) =	sbr.rel @!p0 .LBB2_18-.Ltmp12, $4  }
0x1f5: {  	_ = 	snop  }
0x1f6: {  	[sflag:s10] =	ssyncset.done $0x0  }
0x1f7: {  	[sflag:s10] =	ssyncadd.s32 $0xFFFFEC00  }
0x1f8: {  	_ = 	snop  }
.LBB2_15:
0x1f9: {  	p0 =	slt.s32 s15, $0x1  }
.Ltmp13:
0x1fa: {  	_ = 	snop;
	(pc) =	sbr.rel @!p0 .LBB2_16-.Ltmp13, $4  }
.Ltmp14:
0x1fb: {  	_ = 	snop;
	(pc) =	sbr.rel @p0 .LBB2_17-.Ltmp14, $4  }
0x1fc: {  	_ = 	snop  }
0x1fd: {  	_ = 	snop  }
0x1fe: {  	_ = 	snop  }
0x1ff: {  	_ = 	snop  }
.LBB2_18:
0x200: {  	_ =	sfence.sel $0x180000  }
0x201: {  	[bflag:$0x0] =	sbarrier.arrive $0xFFFF  }
0x202: {  	_ =	strace $0x90000047  }
0x203: {  	s0 =	stileid.u32;
	[bflag:$0x2] =	sbarrier.arrive $0xFFFF  }
0x204: {  	p0 =	sne.s32 s0, $0x0;
	s0 =	rddreg [dreg:$0x3]  }
0x205: {  	s0 =	sadd.s32 @!p0 $0x100000, s0  }
0x206: {  	[sflag:s0] =	ssyncadd.tile.s32 @!p0 $0x1;
	_ =	shalt  }
.Lfunc_end2:
_tile_overlayer_lowered:
.L_overlay_start_2:
0x207: {  	(tag) =	ssettag $0x2  }
0x208: {  	s0 =	rddreg [dreg:$0x0];
	s2 =	stileid.u32  }
0x209: {  	s1 =	rddreg [dreg:$0x1];
	p0 =	sne.s32 s2, $0x0  }
0x20a: {  	s3 =	rddreg [dreg:$0x2];
	[bflag:$0x3] =	sbarrier.arrive $0xFFFF;
	s2 =	simm.s32 @!p0 $0x1C03  }
0x20b: {  	[timem:s3], [sflag:s2] =	dma.local @!p0 [hbm:s0], s1  }
0x20c: {  	s0 =	simm.s32 @!p0 $0x3  }
0x20d: {  	_ =	swait.ge @!p0 [sflag:s0], s1  }
0x20e: {  	s1 =	ssub.s32 @!p0 $0x0, s1;
	[sflag:s0] =	ssyncset.done @!p0 $0x0  }
0x20f: {  	[sflag:s0] =	ssyncadd.s32 @!p0 s1  }
0x210: {  	[bflag:$0x3] =	sbarrier.arrive $0xFFFF  }
0x211: {  	_ =	shalt  }

</sc_bundles>
